<compile_context>
chip_gen: v7x
topology: tpu7x:2x2x1
jax: 0.10.2.dev20260603
libtpu: 0.0.44.dev20260713+nightly
codegen_flags: <defaults>
</compile_context>

<pallas_src>
import jax
import jax.numpy as jnp
from jax import lax
from jax.experimental import pallas as pl
from jax.experimental.pallas import tpu as pltpu
from jax.experimental.pallas import tpu_sc as plsc

_B, _N, _CIN = 8, 16384, 32
_C1, _C2 = 32, 64
_NPOINT = 512
_M = _B * _N
_CHUNK = 16384
_GRID = _M // _CHUNK
_EPS = 1e-5


def _stats0_body(x_ref, g_ref, s_ref):
    step = pl.program_id(0)
    x = x_ref[...]

    @pl.when(step == 0)
    def _():
        g_ref[...] = jnp.zeros_like(g_ref)
        s_ref[...] = jnp.zeros_like(s_ref)

    g_ref[...] += jax.lax.dot_general(
        x, x, (((0,), (0,)), ((), ())), preferred_element_type=jnp.float32)
    s_ref[...] += jnp.sum(x, axis=0, keepdims=True)


def _fold_layer(W, b, g, bb, mean_in, gram_in):
    cov = gram_in - jax.lax.dot_general(
        mean_in, mean_in, (((0,), (0,)), ((), ())),
        preferred_element_type=jnp.float32)
    a = jax.lax.dot_general(W, cov, (((1,), (0,)), ((), ())),
                            preferred_element_type=jnp.float32)
    a = jax.lax.dot_general(a, W, (((1,), (1,)), ((), ())),
                            preferred_element_type=jnp.float32)
    c = W.shape[0]
    eye = (lax.broadcasted_iota(jnp.int32, (c, c), 0)
           == lax.broadcasted_iota(jnp.int32, (c, c), 1)).astype(jnp.float32)
    var = jnp.sum(a * eye, axis=1)
    mean = jnp.dot(mean_in, W.T, preferred_element_type=jnp.float32)[0] + b
    scale = g * lax.rsqrt(var + _EPS)
    Wp = W * scale[:, None]
    cp = scale * (b - mean) + bb
    return Wp, cp


def _zstats_body(x_ref, g_ref, s_ref, w0_ref, b0_ref, g0_ref, bb0_ref,
                 gz_ref, sz_ref):
    step = pl.program_id(0)
    w0p, c0p = _fold_layer(w0_ref[...], b0_ref[...], g0_ref[...], bb0_ref[...],
                           s_ref[...] / _M, g_ref[...] / _M)
    x = x_ref[...]
    z = jnp.maximum(
        jax.lax.dot_general(x, w0p, (((1,), (1,)), ((), ())),
                            preferred_element_type=jnp.float32) + c0p, 0.0)

    @pl.when(step == 0)
    def _():
        gz_ref[...] = jnp.zeros_like(gz_ref)
        sz_ref[...] = jnp.zeros_like(sz_ref)

    gz_ref[...] += jax.lax.dot_general(
        z, z, (((0,), (0,)), ((), ())), preferred_element_type=jnp.float32)
    sz_ref[...] += jnp.sum(z, axis=0, keepdims=True)


def _final_body(x_ref, g_ref, s_ref, gz_ref, sz_ref,
                w0_ref, b0_ref, g0_ref, bb0_ref,
                w1_ref, b1_ref, g1_ref, bb1_ref, out_ref):
    step = pl.program_id(0)
    w0p, c0p = _fold_layer(w0_ref[...], b0_ref[...], g0_ref[...], bb0_ref[...],
                           s_ref[...] / _M, g_ref[...] / _M)
    w1p, c1p = _fold_layer(w1_ref[...], b1_ref[...], g1_ref[...], bb1_ref[...],
                           sz_ref[...] / _M, gz_ref[...] / _M)
    x = x_ref[...]
    z = jnp.maximum(
        jax.lax.dot_general(x, w0p, (((1,), (1,)), ((), ())),
                            preferred_element_type=jnp.float32) + c0p, 0.0)
    h = jnp.maximum(
        jax.lax.dot_general(z, w1p, (((1,), (1,)), ((), ())),
                            preferred_element_type=jnp.float32) + c1p, 0.0)

    @pl.when(step % (_N // _CHUNK) == 0)
    def _():
        out_ref[...] = jnp.zeros_like(out_ref)

    out_ref[...] += jnp.sum(h, axis=0, keepdims=True)[None] * (1.0 / _N)


def _mlp(points, w0, b0, g0, bb0, w1, b1, g1, bb1):
    x = points.reshape(_M, _CIN)
    full = lambda shape: pl.BlockSpec(shape, lambda i: (0,) * len(shape))
    xspec = pl.BlockSpec((_CHUNK, _CIN), lambda i: (i, 0))

    g, s = pl.pallas_call(
        _stats0_body,
        grid=(_GRID,),
        in_specs=[xspec],
        out_specs=[full((_CIN, _CIN)), full((1, _CIN))],
        out_shape=[jax.ShapeDtypeStruct((_CIN, _CIN), jnp.float32),
                   jax.ShapeDtypeStruct((1, _CIN), jnp.float32)],
        compiler_params=pltpu.CompilerParams(
            dimension_semantics=("arbitrary",)),
    )(x)

    gz, sz = pl.pallas_call(
        _zstats_body,
        grid=(_GRID,),
        in_specs=[xspec, full((_CIN, _CIN)), full((1, _CIN)),
                  full((_C1, _CIN)), full((_C1,)), full((_C1,)), full((_C1,))],
        out_specs=[full((_C1, _C1)), full((1, _C1))],
        out_shape=[jax.ShapeDtypeStruct((_C1, _C1), jnp.float32),
                   jax.ShapeDtypeStruct((1, _C1), jnp.float32)],
        compiler_params=pltpu.CompilerParams(
            dimension_semantics=("arbitrary",)),
    )(x, g, s, w0, b0, g0, bb0)

    out = pl.pallas_call(
        _final_body,
        grid=(_GRID,),
        in_specs=[xspec, full((_CIN, _CIN)), full((1, _CIN)),
                  full((_C1, _C1)), full((1, _C1)),
                  full((_C1, _CIN)), full((_C1,)), full((_C1,)), full((_C1,)),
                  full((_C2, _C1)), full((_C2,)), full((_C2,)), full((_C2,))],
        out_specs=pl.BlockSpec((1, 1, _C2), lambda i: (i // (_N // _CHUNK), 0, 0)),
        out_shape=jax.ShapeDtypeStruct((_B, 1, _C2), jnp.float32),
        compiler_params=pltpu.CompilerParams(
            dimension_semantics=("arbitrary",)),
    )(x, g, s, gz, sz, w0, b0, g0, bb0, w1, b1, g1, bb1)

    return jnp.transpose(out, (0, 2, 1))



_SHARDS = 4
_SH = _N // _SHARDS
_NV = _SH // 16
_UNROLL = 8
_BIG = 3.0e38


def _fps_sc_body(xyz_hbm, out_hbm, xs, ys, zs, dist, pub, cand, nxbuf, shared):
    c = lax.axis_index("c")
    s = lax.axis_index("s")
    b = c * 4 + s // _SHARDS
    bl = s // _SHARDS
    shard = s % _SHARDS
    base = shard * _SH

    src = b * (3 * _N) + base
    pltpu.sync_copy(xyz_hbm.at[pl.ds(src, _SH)], xs)
    pltpu.sync_copy(xyz_hbm.at[pl.ds(src + _N, _SH)], ys)
    pltpu.sync_copy(xyz_hbm.at[pl.ds(src + 2 * _N, _SH)], zs)

    lanes = lax.iota(jnp.int32, 16)
    zero16 = jnp.zeros((16,), jnp.int32)

    def _init(i, carry):
        dist[pl.ds(i * 16, 16)] = jnp.full((16,), 1e10, jnp.float32)
        return carry

    lax.fori_loop(0, _NV, _init, 0)

    def lane_bcast(vec, lane_idx):
        sel = lanes == jnp.full((16,), lane_idx, jnp.int32)
        picked = jnp.where(sel, vec, jnp.full((16,), -_BIG, jnp.float32))
        return jnp.full((16,), jnp.max(picked), jnp.float32)

    is0 = jnp.full((16,), shard, jnp.int32) == zero16
    pub[pl.ds(0, 16)] = jnp.where(is0, _BIG, -_BIG)
    pub[pl.ds(16, 16)] = jnp.where(is0, lane_bcast(xs[pl.ds(0, 16)], 0), 0.0)
    pub[pl.ds(32, 16)] = jnp.where(is0, lane_bcast(ys[pl.ds(0, 16)], 0), 0.0)
    pub[pl.ds(48, 16)] = jnp.where(is0, lane_bcast(zs[pl.ds(0, 16)], 0), 0.0)
    slot = (bl * _SHARDS + shard) * 64
    pltpu.sync_copy(pub, shared.at[pl.ds(slot, 64)])
    plsc.subcore_barrier()

    def one_step(t, parity):
        pltpu.sync_copy(
            shared.at[pl.ds(parity * (4 * _SHARDS * 64) + bl * (_SHARDS * 64),
                            _SHARDS * 64)], cand)
        row = lambda k, comp: cand[pl.ds(k * 64 + comp * 16, 16)]
        wm = row(0, 0)
        wx = row(0, 1)
        wy = row(0, 2)
        wz = row(0, 3)
        for k in range(1, _SHARDS):
            better = row(k, 0) > wm
            wm = jnp.where(better, row(k, 0), wm)
            wx = jnp.where(better, row(k, 1), wx)
            wy = jnp.where(better, row(k, 2), wy)
            wz = jnp.where(better, row(k, 3), wz)
        pack = jnp.where(lanes == 1, wx,
                         jnp.where(lanes == 2, wy,
                                   jnp.where(lanes == 3, wz, wm)))
        nxbuf[pl.ds(t * 16, 16)] = pack

        @plsc.parallel_loop(0, _SH, 16, unroll=_UNROLL,
                            carry=(jnp.full((16,), -_BIG, jnp.float32),
                                   zero16))
        def dloop(off, mc):
            m, idxv = mc
            xv = xs[pl.ds(off, 16)]
            yv = ys[pl.ds(off, 16)]
            zv = zs[pl.ds(off, 16)]
            dx = xv - wx
            dy = yv - wy
            dz = zv - wz
            d = dx * dx + dy * dy
            d = d + dz * dz
            nd = jnp.minimum(dist[pl.ds(off, 16)], d)
            dist[pl.ds(off, 16)] = nd
            upd = nd > m
            m = jnp.where(upd, nd, m)
            idxv = jnp.where(upd, lanes + off, idxv)
            return m, idxv

        m, idxv = dloop

        lmv = jnp.full((16,), jnp.max(m), jnp.float32)
        iv = jnp.where(m == lmv, idxv, jnp.full((16,), 1 << 30, jnp.int32))
        li = jnp.min(iv)
        blk = (li // 16) * 16
        lane_idx = li - blk
        pub[pl.ds(0, 16)] = lmv
        pub[pl.ds(16, 16)] = lane_bcast(xs[pl.ds(blk, 16)], lane_idx)
        pub[pl.ds(32, 16)] = lane_bcast(ys[pl.ds(blk, 16)], lane_idx)
        pub[pl.ds(48, 16)] = lane_bcast(zs[pl.ds(blk, 16)], lane_idx)
        pltpu.sync_copy(
            pub,
            shared.at[pl.ds((1 - parity) * (4 * _SHARDS * 64)
                            + (bl * _SHARDS + shard) * 64, 64)])
        plsc.subcore_barrier()

    def outer(i, carry):
        one_step(2 * i, 0)
        one_step(2 * i + 1, 1)
        return carry

    lax.fori_loop(0, _NPOINT // 2, outer, 0)

    @pl.when(shard == 0)
    def _():
        pltpu.sync_copy(nxbuf, out_hbm.at[pl.ds(b * (_NPOINT * 16),
                                                _NPOINT * 16)])


def _fps_new_xyz(xyz):
    xyz_t = jnp.transpose(xyz, (0, 2, 1)).reshape(_B * 3 * _N)
    mesh = plsc.VectorSubcoreMesh(core_axis_name="c", subcore_axis_name="s",
                                  num_cores=2, num_subcores=16)
    out = pl.kernel(
        _fps_sc_body,
        out_type=jax.ShapeDtypeStruct((_B * _NPOINT * 16,), jnp.float32),
        mesh=mesh,
        compiler_params=pltpu.CompilerParams(needs_layout_passes=False),
        scratch_types=[
            pltpu.VMEM((_SH,), jnp.float32),
            pltpu.VMEM((_SH,), jnp.float32),
            pltpu.VMEM((_SH,), jnp.float32),
            pltpu.VMEM((_SH,), jnp.float32),
            pltpu.VMEM((64,), jnp.float32),
            pltpu.VMEM((_SHARDS * 64,), jnp.float32),
            pltpu.VMEM((_NPOINT * 16,), jnp.float32),
            pltpu.VMEM_SHARED((2 * 4 * _SHARDS * 64,), jnp.float32),
        ],
    )(xyz_t)
    return out.reshape(_B, _NPOINT, 16)[:, :, 1:4]


def kernel(xyz, points, conv_w0, conv_b0, bn_g0, bn_b0,
           conv_w1, conv_b1, bn_g1, bn_b1):
    new_xyz = _fps_new_xyz(xyz)
    trans_feat = _mlp(points, conv_w0, conv_b0, bn_g0, bn_b0,
                      conv_w1, conv_b1, bn_g1, bn_b1)
    return (new_xyz, trans_feat)

# --- scband reference (transcript-rebuilt; emitter-appended) ---
"""Pipeline reference for scband-point-net-set-abstraction-4011499454796 (READ-ONLY COPY).

The authoritative reference and input builder live on the scoring server;
editing this copy changes nothing except your own understanding.
"""

import jax, jax.numpy as jnp
import numpy as np

NPOINT = 512


def setup_inputs(seed: int = 0) -> dict:
    key = jax.random.key(seed)
    ks = jax.random.split(key, 8)
    B, N, Cin = 8, 16384, 32
    mlp = [32, 64]
    inp = {
        "xyz": jax.random.normal(ks[0], (B, N, 3), dtype=jnp.float32),
        "points": jax.random.normal(ks[1], (B, N, Cin), dtype=jnp.float32),
    }
    c_in = Cin
    ki = 2
    for li, c_out in enumerate(mlp):
        inp[f"conv_w{li}"] = jax.random.normal(ks[ki], (c_out, c_in), dtype=jnp.float32) * (1.0 / np.sqrt(c_in))
        ki += 1
        inp[f"conv_b{li}"] = jnp.zeros((c_out,), jnp.float32)
        inp[f"bn_g{li}"] = jnp.ones((c_out,), jnp.float32)
        inp[f"bn_b{li}"] = jnp.zeros((c_out,), jnp.float32)
        c_in = c_out
    return inp


def _fps(xyz, npoint):
    # Iterative furthest point sampling (PointNet++), returns indices [B, npoint].
    B, N, _ = xyz.shape
    dist0 = jnp.full((B, N), 1e10, dtype=xyz.dtype)
    far0 = jnp.zeros((B,), dtype=jnp.int32)

    def step(carry, _):
        dist, far = carry
        centroid = jnp.take_along_axis(xyz, far[:, None, None], axis=1)  # [B,1,3]
        d = jnp.sum((xyz - centroid) ** 2, axis=-1)  # [B,N]
        dist = jnp.minimum(dist, d)
        nxt = jnp.argmax(dist, axis=-1).astype(jnp.int32)
        return (dist, nxt), far

    _, idxs = jax.lax.scan(step, (dist0, far0), None, length=npoint)
    return jnp.transpose(idxs, (1, 0))  # [B, npoint]


def reference(xyz, points, conv_w0, conv_b0, bn_g0, bn_b0, conv_w1, conv_b1, bn_g1, bn_b1):
    # furthest point sampling -> new_xyz (gather)
    idx = _fps(xyz, NPOINT)
    new_xyz = jnp.take_along_axis(xyz, idx[..., None], axis=1)  # [B, npoint, 3]

    # group_all=True path: grouped_points is the full point set
    x = jnp.transpose(points, (0, 2, 1))  # [B, C, N]
    for W, b, g, bb in ((conv_w0, conv_b0, bn_g0, bn_b0),
                        (conv_w1, conv_b1, bn_g1, bn_b1)):
        # Conv1d with kernel_size=1 == per-point linear
        x = jnp.einsum('oc,bcn->bon', W, x) + b[None, :, None]
        # BatchNorm1d (training-mode batch statistics over B and N)
        mean = jnp.mean(x, axis=(0, 2), keepdims=True)
        var = jnp.var(x, axis=(0, 2), keepdims=True)
        x = (x - mean) / jnp.sqrt(var + 1e-5)
        x = g[None, :, None] * x + bb[None, :, None]
        x = jax.nn.relu(x)

    trans_feat = jnp.mean(x, axis=2, keepdims=True)  # [B, mlp[-1], 1]
    return (new_xyz, trans_feat)

if __name__ == "__main__":
    import jax
    _d = setup_inputs()
    print(jax.jit(kernel)(*tuple(_d.values())))

</pallas_src>

<mosaic_0001>
#map = affine_map<(d0, d1) -> (0)>
module attributes {stable_mosaic.version = 14 : i64} {
  func.func @_fps_sc_body(%arg0: i32, %arg1: i32, %arg2: memref<393216xf32, #tpu.memory_space<hbm>>, %arg3: memref<65536xf32, #tpu.memory_space<hbm>>, %arg4: memref<4096xf32, #tpu.memory_space<vmem>>, %arg5: memref<4096xf32, #tpu.memory_space<vmem>>, %arg6: memref<4096xf32, #tpu.memory_space<vmem>>, %arg7: memref<4096xf32, #tpu.memory_space<vmem>>, %arg8: memref<64xf32, #tpu.memory_space<vmem>>, %arg9: memref<256xf32, #tpu.memory_space<vmem>>, %arg10: memref<8192xf32, #tpu.memory_space<vmem>>, %arg11: memref<2048xf32, #tpu.memory_space<vmem_shared>>) attributes {dimension_semantics = [#tpu.dimension_semantics<core_parallel>, #tpu.dimension_semantics<subcore_parallel>], iteration_bounds = array<i64: 2, 16>, scalar_prefetch = 0 : i64, scratch_operands = 8 : i64, tpu.core_type = #tpu.core_type<sc_vector_subcore>, window_params = [{transform_indices = #map}, {transform_indices = #map}]} {
    %mul3A = arith.constant 4 : i32
    %mul3A_0 = arith.muli %arg0, %mul3A : i32
    %jit3A = arith.constant 4 : i32
    %div3A = arith.divsi %arg1, %jit3A : i32
    %sign3A = arith.constant 0 : i32
    %sign3A_1 = arith.cmpi sgt, %arg1, %sign3A : i32
    %sign3A_2 = arith.extui %sign3A_1 : i1 to i32
    %sign3A_3 = arith.constant 0 : i32
    %sign3A_4 = arith.cmpi slt, %arg1, %sign3A_3 : i32
    %sign3A_5 = arith.extui %sign3A_4 : i1 to i32
    %sign3A_6 = arith.subi %sign3A_2, %sign3A_5 : i32
    %sign3A_7 = arith.constant 0 : i32
    %sign3A_8 = arith.cmpi sgt, %jit3A, %sign3A_7 : i32
    %sign3A_9 = arith.extui %sign3A_8 : i1 to i32
    %sign3A_10 = arith.constant 0 : i32
    %sign3A_11 = arith.cmpi slt, %jit3A, %sign3A_10 : i32
    %sign3A_12 = arith.extui %sign3A_11 : i1 to i32
    %sign3A_13 = arith.subi %sign3A_9, %sign3A_12 : i32
    %ne3A = arith.cmpi ne, %sign3A_6, %sign3A_13 : i32
    %rem3A = arith.remsi %arg1, %jit3A : i32
    %ne3A_14 = arith.constant 0 : i32
    %ne3A_15 = arith.cmpi ne, %rem3A, %ne3A_14 : i32
    %and3A = arith.andi %ne3A, %ne3A_15 : i1
    %sub3A = arith.constant 1 : i32
    %sub3A_16 = arith.subi %div3A, %sub3A : i32
    %select_n3A = arith.select %and3A, %sub3A_16, %div3A : i32
    %add3A = arith.addi %mul3A_0, %select_n3A : i32
    %jit3A_17 = arith.constant 4 : i32
    %div3A_18 = arith.divsi %arg1, %jit3A_17 : i32
    %sign3A_19 = arith.constant 0 : i32
    %sign3A_20 = arith.cmpi sgt, %arg1, %sign3A_19 : i32
    %sign3A_21 = arith.extui %sign3A_20 : i1 to i32
    %sign3A_22 = arith.constant 0 : i32
    %sign3A_23 = arith.cmpi slt, %arg1, %sign3A_22 : i32
    %sign3A_24 = arith.extui %sign3A_23 : i1 to i32
    %sign3A_25 = arith.subi %sign3A_21, %sign3A_24 : i32
    %sign3A_26 = arith.constant 0 : i32
    %sign3A_27 = arith.cmpi sgt, %jit3A_17, %sign3A_26 : i32
    %sign3A_28 = arith.extui %sign3A_27 : i1 to i32
    %sign3A_29 = arith.constant 0 : i32
    %sign3A_30 = arith.cmpi slt, %jit3A_17, %sign3A_29 : i32
    %sign3A_31 = arith.extui %sign3A_30 : i1 to i32
    %sign3A_32 = arith.subi %sign3A_28, %sign3A_31 : i32
    %ne3A_33 = arith.cmpi ne, %sign3A_25, %sign3A_32 : i32
    %rem3A_34 = arith.remsi %arg1, %jit3A_17 : i32
    %ne3A_35 = arith.constant 0 : i32
    %ne3A_36 = arith.cmpi ne, %rem3A_34, %ne3A_35 : i32
    %and3A_37 = arith.andi %ne3A_33, %ne3A_36 : i1
    %sub3A_38 = arith.constant 1 : i32
    %sub3A_39 = arith.subi %div3A_18, %sub3A_38 : i32
    %select_n3A_40 = arith.select %and3A_37, %sub3A_39, %div3A_18 : i32
    %jit3A_41 = arith.constant 4 : i32
    %eq3A = arith.constant 0 : i32
    %eq3A_42 = arith.cmpi eq, %jit3A_41, %eq3A : i32
    %jit3A_43 = arith.constant 1 : i32
    %select_n3A_44 = arith.select %eq3A_42, %jit3A_43, %jit3A_41 : i32
    %rem3A_45 = arith.remsi %arg1, %select_n3A_44 : i32
    %ne3A_46 = arith.constant 0 : i32
    %ne3A_47 = arith.cmpi ne, %rem3A_45, %ne3A_46 : i32
    %lt3A = arith.constant 0 : i32
    %lt3A_48 = arith.cmpi slt, %rem3A_45, %lt3A : i32
    %lt3A_49 = arith.constant 0 : i32
    %lt3A_50 = arith.cmpi slt, %select_n3A_44, %lt3A_49 : i32
    %ne3A_51 = arith.xori %lt3A_48, %lt3A_50 : i1
    %and3A_52 = arith.andi %ne3A_51, %ne3A_47 : i1
    %add3A_53 = arith.addi %rem3A_45, %select_n3A_44 : i32
    %select_n3A_54 = arith.select %and3A_52, %add3A_53, %rem3A_45 : i32
    %mul3A_55 = arith.constant 4096 : i32
    %mul3A_56 = arith.muli %select_n3A_54, %mul3A_55 : i32
    %mul3A_57 = arith.constant 49152 : i32
    %mul3A_58 = arith.muli %add3A, %mul3A_57 : i32
    %add3A_59 = arith.addi %mul3A_58, %mul3A_56 : i32
    "tpu.region"() ({
      %run_scoped3A = tpu.sem_alloc : memref<!tpu.dma_semaphore, #tpu.memory_space<semaphore_mem>>
      %dma_start3A = tpu.memref_slice %arg2[%add3A_59] : memref<393216xf32, #tpu.memory_space<hbm>> -> memref<4096xf32, #tpu.memory_space<hbm>>
      %dma_start3A_144 = tpu.memref_slice %arg2[%add3A_59] : memref<393216xf32, #tpu.memory_space<hbm>> -> memref<4096xf32, #tpu.memory_space<hbm>>
      tpu.enqueue_dma source(%dma_start3A_144 : memref<4096xf32, #tpu.memory_space<hbm>>) target(%arg4 : memref<4096xf32, #tpu.memory_space<vmem>>) target_semaphore(%run_scoped3A : memref<!tpu.dma_semaphore, #tpu.memory_space<semaphore_mem>>)
      %dma_wait3A = tpu.memref_slice %arg2[%add3A_59] : memref<393216xf32, #tpu.memory_space<hbm>> -> memref<4096xf32, #tpu.memory_space<hbm>>
      %dma_wait3A_145 = tpu.memref_slice %arg2[%add3A_59] : memref<393216xf32, #tpu.memory_space<hbm>> -> memref<4096xf32, #tpu.memory_space<hbm>>
      tpu.wait_dma2 semaphore(%run_scoped3A : memref<!tpu.dma_semaphore, #tpu.memory_space<semaphore_mem>>) src(%dma_wait3A_145 : memref<4096xf32, #tpu.memory_space<hbm>>) dst(%arg4 : memref<4096xf32, #tpu.memory_space<vmem>>)
      tpu.yield
    }) : () -> ()
    %add3A_60 = arith.constant 16384 : i32
    %add3A_61 = arith.addi %add3A_59, %add3A_60 : i32
    "tpu.region"() ({
      %run_scoped3A = tpu.sem_alloc : memref<!tpu.dma_semaphore, #tpu.memory_space<semaphore_mem>>
      %dma_start3A = tpu.memref_slice %arg2[%add3A_61] : memref<393216xf32, #tpu.memory_space<hbm>> -> memref<4096xf32, #tpu.memory_space<hbm>>
      %dma_start3A_144 = tpu.memref_slice %arg2[%add3A_61] : memref<393216xf32, #tpu.memory_space<hbm>> -> memref<4096xf32, #tpu.memory_space<hbm>>
      tpu.enqueue_dma source(%dma_start3A_144 : memref<4096xf32, #tpu.memory_space<hbm>>) target(%arg5 : memref<4096xf32, #tpu.memory_space<vmem>>) target_semaphore(%run_scoped3A : memref<!tpu.dma_semaphore, #tpu.memory_space<semaphore_mem>>)
      %dma_wait3A = tpu.memref_slice %arg2[%add3A_61] : memref<393216xf32, #tpu.memory_space<hbm>> -> memref<4096xf32, #tpu.memory_space<hbm>>
      %dma_wait3A_145 = tpu.memref_slice %arg2[%add3A_61] : memref<393216xf32, #tpu.memory_space<hbm>> -> memref<4096xf32, #tpu.memory_space<hbm>>
      tpu.wait_dma2 semaphore(%run_scoped3A : memref<!tpu.dma_semaphore, #tpu.memory_space<semaphore_mem>>) src(%dma_wait3A_145 : memref<4096xf32, #tpu.memory_space<hbm>>) dst(%arg5 : memref<4096xf32, #tpu.memory_space<vmem>>)
      tpu.yield
    }) : () -> ()
    %add3A_62 = arith.constant 32768 : i32
    %add3A_63 = arith.addi %add3A_59, %add3A_62 : i32
    "tpu.region"() ({
      %run_scoped3A = tpu.sem_alloc : memref<!tpu.dma_semaphore, #tpu.memory_space<semaphore_mem>>
      %dma_start3A = tpu.memref_slice %arg2[%add3A_63] : memref<393216xf32, #tpu.memory_space<hbm>> -> memref<4096xf32, #tpu.memory_space<hbm>>
      %dma_start3A_144 = tpu.memref_slice %arg2[%add3A_63] : memref<393216xf32, #tpu.memory_space<hbm>> -> memref<4096xf32, #tpu.memory_space<hbm>>
      tpu.enqueue_dma source(%dma_start3A_144 : memref<4096xf32, #tpu.memory_space<hbm>>) target(%arg6 : memref<4096xf32, #tpu.memory_space<vmem>>) target_semaphore(%run_scoped3A : memref<!tpu.dma_semaphore, #tpu.memory_space<semaphore_mem>>)
      %dma_wait3A = tpu.memref_slice %arg2[%add3A_63] : memref<393216xf32, #tpu.memory_space<hbm>> -> memref<4096xf32, #tpu.memory_space<hbm>>
      %dma_wait3A_145 = tpu.memref_slice %arg2[%add3A_63] : memref<393216xf32, #tpu.memory_space<hbm>> -> memref<4096xf32, #tpu.memory_space<hbm>>
      tpu.wait_dma2 semaphore(%run_scoped3A : memref<!tpu.dma_semaphore, #tpu.memory_space<semaphore_mem>>) src(%dma_wait3A_145 : memref<4096xf32, #tpu.memory_space<hbm>>) dst(%arg6 : memref<4096xf32, #tpu.memory_space<vmem>>)
      tpu.yield
    }) : () -> ()
    %iota3A = tpu.iota {dimensions = array<i32: 0>} : vector<16xi32>
    %broadcast_in_dim3A = arith.constant 0 : i32
    %broadcast_in_dim3A_64 = vector.broadcast %broadcast_in_dim3A : i32 to vector<16xi32>
    %scan3A = arith.constant 0 : i32
    %scan3A_65 = arith.constant 0 : i32
    %scan3A_66 = arith.constant 256 : i32
    %scan3A_67 = arith.addi %scan3A_65, %scan3A_66 : i32
    %scan3A_68 = arith.constant 1 : i32
    scf.for %scan3A_144 = %scan3A_65 to %scan3A_67 step %scan3A_68  : i32 {
      %broadcast_in_dim3A_145 = arith.constant 1.000000e+10 : f32
      %broadcast_in_dim3A_146 = vector.broadcast %broadcast_in_dim3A_145 : f32 to vector<16xf32>
      %mul3A_147 = arith.constant 16 : i32
      %mul3A_148 = arith.muli %scan3A_144, %mul3A_147 : i32
      %swap3A_149 = arith.index_cast %mul3A_148 : i32 to index
      %swap3A_150 = tpu.vector_load %arg7[%swap3A_149] {strides = array<i32>} : memref<4096xf32, #tpu.memory_space<vmem>>, vector<16xf32>,
      tpu.vector_store %arg7[%swap3A_149], %broadcast_in_dim3A_146 {strides = array<i32>} : memref<4096xf32, #tpu.memory_space<vmem>>, vector<16xf32>,
    }
    %scan3A_69 = arith.constant 256 : i32
    %broadcast_in_dim3A_70 = vector.broadcast %select_n3A_54 : i32 to vector<16xi32>
    %eq3A_71 = arith.cmpi eq, %broadcast_in_dim3A_70, %broadcast_in_dim3A_64 : vector<16xi32>
    %jit3A_72 = arith.constant 3.000000e+38 : f32
    %jit3A_73 = arith.constant -3.000000e+38 : f32
    %broadcast_in_dim3A_74 = vector.broadcast %jit3A_72 : f32 to vector<16xf32>
    %broadcast_in_dim3A_75 = vector.broadcast %jit3A_73 : f32 to vector<16xf32>
    %select_n3A_76 = arith.select %eq3A_71, %broadcast_in_dim3A_74, %broadcast_in_dim3A_75 : vector<16xi1>, vector<16xf32>
    %swap3A = arith.constant 0 : index
    %swap3A_77 = tpu.vector_load %arg8[%swap3A] {strides = array<i32>} : memref<64xf32, #tpu.memory_space<vmem>>, vector<16xf32>,
    tpu.vector_store %arg8[%swap3A], %select_n3A_76 {strides = array<i32>} : memref<64xf32, #tpu.memory_space<vmem>>, vector<16xf32>,
    %get3A = arith.constant 0 : index
    %get3A_78 = tpu.vector_load %arg4[%get3A] {strides = array<i32>} : memref<4096xf32, #tpu.memory_space<vmem>>, vector<16xf32>,
    %broadcast_in_dim3A_79 = arith.constant 0 : i32
    %broadcast_in_dim3A_80 = vector.broadcast %broadcast_in_dim3A_79 : i32 to vector<16xi32>
    %eq3A_81 = arith.cmpi eq, %iota3A, %broadcast_in_dim3A_80 : vector<16xi32>
    %broadcast_in_dim3A_82 = arith.constant -3.000000e+38 : f32
    %broadcast_in_dim3A_83 = vector.broadcast %broadcast_in_dim3A_82 : f32 to vector<16xf32>
    %select_n3A_84 = arith.select %eq3A_81, %get3A_78, %broadcast_in_dim3A_83 : vector<16xi1>, vector<16xf32>
    %reduce_max3A = arith.constant true
    %reduce_max3A_85 = vector.broadcast %reduce_max3A : i1 to vector<16xi1>
    %reduce_max3A_86 = tpu.scan <max>, %select_n3A_84 masked %reduce_max3A_85 : vector<16xf32>, vector<16xi1> -> vector<16xf32>
    %reduce_max3A_87 = vector.extract %reduce_max3A_86[15] : f32 from vector<16xf32>
    %broadcast_in_dim3A_88 = vector.broadcast %reduce_max3A_87 : f32 to vector<16xf32>
    %jit3A_89 = arith.constant 0.000000e+00 : f32
    %broadcast_in_dim3A_90 = vector.broadcast %jit3A_89 : f32 to vector<16xf32>
    %select_n3A_91 = arith.select %eq3A_71, %broadcast_in_dim3A_88, %broadcast_in_dim3A_90 : vector<16xi1>, vector<16xf32>
    %swap3A_92 = arith.constant 16 : index
    %swap3A_93 = tpu.vector_load %arg8[%swap3A_92] {strides = array<i32>} : memref<64xf32, #tpu.memory_space<vmem>>, vector<16xf32>,
    tpu.vector_store %arg8[%swap3A_92], %select_n3A_91 {strides = array<i32>} : memref<64xf32, #tpu.memory_space<vmem>>, vector<16xf32>,
    %get3A_94 = arith.constant 0 : index
    %get3A_95 = tpu.vector_load %arg5[%get3A_94] {strides = array<i32>} : memref<4096xf32, #tpu.memory_space<vmem>>, vector<16xf32>,
    %broadcast_in_dim3A_96 = arith.constant 0 : i32
    %broadcast_in_dim3A_97 = vector.broadcast %broadcast_in_dim3A_96 : i32 to vector<16xi32>
    %eq3A_98 = arith.cmpi eq, %iota3A, %broadcast_in_dim3A_97 : vector<16xi32>
    %broadcast_in_dim3A_99 = arith.constant -3.000000e+38 : f32
    %broadcast_in_dim3A_100 = vector.broadcast %broadcast_in_dim3A_99 : f32 to vector<16xf32>
    %select_n3A_101 = arith.select %eq3A_98, %get3A_95, %broadcast_in_dim3A_100 : vector<16xi1>, vector<16xf32>
    %reduce_max3A_102 = arith.constant true
    %reduce_max3A_103 = vector.broadcast %reduce_max3A_102 : i1 to vector<16xi1>
    %reduce_max3A_104 = tpu.scan <max>, %select_n3A_101 masked %reduce_max3A_103 : vector<16xf32>, vector<16xi1> -> vector<16xf32>
    %reduce_max3A_105 = vector.extract %reduce_max3A_104[15] : f32 from vector<16xf32>
    %broadcast_in_dim3A_106 = vector.broadcast %reduce_max3A_105 : f32 to vector<16xf32>
    %jit3A_107 = arith.constant 0.000000e+00 : f32
    %broadcast_in_dim3A_108 = vector.broadcast %jit3A_107 : f32 to vector<16xf32>
    %select_n3A_109 = arith.select %eq3A_71, %broadcast_in_dim3A_106, %broadcast_in_dim3A_108 : vector<16xi1>, vector<16xf32>
    %swap3A_110 = arith.constant 32 : index
    %swap3A_111 = tpu.vector_load %arg8[%swap3A_110] {strides = array<i32>} : memref<64xf32, #tpu.memory_space<vmem>>, vector<16xf32>,
    tpu.vector_store %arg8[%swap3A_110], %select_n3A_109 {strides = array<i32>} : memref<64xf32, #tpu.memory_space<vmem>>, vector<16xf32>,
    %get3A_112 = arith.constant 0 : index
    %get3A_113 = tpu.vector_load %arg6[%get3A_112] {strides = array<i32>} : memref<4096xf32, #tpu.memory_space<vmem>>, vector<16xf32>,
    %broadcast_in_dim3A_114 = arith.constant 0 : i32
    %broadcast_in_dim3A_115 = vector.broadcast %broadcast_in_dim3A_114 : i32 to vector<16xi32>
    %eq3A_116 = arith.cmpi eq, %iota3A, %broadcast_in_dim3A_115 : vector<16xi32>
    %broadcast_in_dim3A_117 = arith.constant -3.000000e+38 : f32
    %broadcast_in_dim3A_118 = vector.broadcast %broadcast_in_dim3A_117 : f32 to vector<16xf32>
    %select_n3A_119 = arith.select %eq3A_116, %get3A_113, %broadcast_in_dim3A_118 : vector<16xi1>, vector<16xf32>
    %reduce_max3A_120 = arith.constant true
    %reduce_max3A_121 = vector.broadcast %reduce_max3A_120 : i1 to vector<16xi1>
    %reduce_max3A_122 = tpu.scan <max>, %select_n3A_119 masked %reduce_max3A_121 : vector<16xf32>, vector<16xi1> -> vector<16xf32>
    %reduce_max3A_123 = vector.extract %reduce_max3A_122[15] : f32 from vector<16xf32>
    %broadcast_in_dim3A_124 = vector.broadcast %reduce_max3A_123 : f32 to vector<16xf32>
    %jit3A_125 = arith.constant 0.000000e+00 : f32
    %broadcast_in_dim3A_126 = vector.broadcast %jit3A_125 : f32 to vector<16xf32>
    %select_n3A_127 = arith.select %eq3A_71, %broadcast_in_dim3A_124, %broadcast_in_dim3A_126 : vector<16xi1>, vector<16xf32>
    %swap3A_128 = arith.constant 48 : index
    %swap3A_129 = tpu.vector_load %arg8[%swap3A_128] {strides = array<i32>} : memref<64xf32, #tpu.memory_space<vmem>>, vector<16xf32>,
    tpu.vector_store %arg8[%swap3A_128], %select_n3A_127 {strides = array<i32>} : memref<64xf32, #tpu.memory_space<vmem>>, vector<16xf32>,
    %mul3A_130 = arith.constant 4 : i32
    %mul3A_131 = arith.muli %select_n3A_40, %mul3A_130 : i32
    %add3A_132 = arith.addi %mul3A_131, %select_n3A_54 : i32
    %mul3A_133 = arith.constant 64 : i32
    %mul3A_134 = arith.muli %add3A_132, %mul3A_133 : i32
    "tpu.region"() ({
      %run_scoped3A = tpu.sem_alloc : memref<!tpu.dma_semaphore, #tpu.memory_space<semaphore_mem>>
      %dma_start3A = tpu.memref_slice %arg11[%mul3A_134] : memref<2048xf32, #tpu.memory_space<vmem_shared>> -> memref<64xf32, #tpu.memory_space<vmem_shared>>
      %dma_start3A_144 = tpu.memref_slice %arg11[%mul3A_134] : memref<2048xf32, #tpu.memory_space<vmem_shared>> -> memref<64xf32, #tpu.memory_space<vmem_shared>>
      tpu.enqueue_dma source(%arg8 : memref<64xf32, #tpu.memory_space<vmem>>) target(%dma_start3A_144 : memref<64xf32, #tpu.memory_space<vmem_shared>>) target_semaphore(%run_scoped3A : memref<!tpu.dma_semaphore, #tpu.memory_space<semaphore_mem>>)
      %dma_wait3A = tpu.memref_slice %arg11[%mul3A_134] : memref<2048xf32, #tpu.memory_space<vmem_shared>> -> memref<64xf32, #tpu.memory_space<vmem_shared>>
      %dma_wait3A_145 = tpu.memref_slice %arg11[%mul3A_134] : memref<2048xf32, #tpu.memory_space<vmem_shared>> -> memref<64xf32, #tpu.memory_space<vmem_shared>>
      tpu.wait_dma2 semaphore(%run_scoped3A : memref<!tpu.dma_semaphore, #tpu.memory_space<semaphore_mem>>) src(%arg8 : memref<64xf32, #tpu.memory_space<vmem>>) dst(%dma_wait3A_145 : memref<64xf32, #tpu.memory_space<vmem_shared>>)
      tpu.yield
    }) : () -> ()
    %barrier3A = arith.constant 0 : index
    tpu.barrier barrier_id(%barrier3A)
    %scan3A_135 = arith.constant 0 : i32
    %scan3A_136 = arith.constant 0 : i32
    %scan3A_137 = arith.constant 256 : i32
    %scan3A_138 = arith.addi %scan3A_136, %scan3A_137 : i32
    %scan3A_139 = arith.constant 1 : i32
    scf.for %scan3A_144 = %scan3A_136 to %scan3A_138 step %scan3A_139  : i32 {
      %mul3A_145 = arith.constant 2 : i32
      %mul3A_146 = arith.muli %mul3A_145, %scan3A_144 : i32
      %mul3A_147 = arith.constant 256 : i32
      %mul3A_148 = arith.muli %select_n3A_40, %mul3A_147 : i32
      %add3A_149 = arith.constant 0 : i32
      %add3A_150 = arith.addi %add3A_149, %mul3A_148 : i32
      "tpu.region"() ({
        %run_scoped3A = tpu.sem_alloc : memref<!tpu.dma_semaphore, #tpu.memory_space<semaphore_mem>>
        %dma_start3A = tpu.memref_slice %arg11[%add3A_150] : memref<2048xf32, #tpu.memory_space<vmem_shared>> -> memref<256xf32, #tpu.memory_space<vmem_shared>>
        %dma_start3A_498 = tpu.memref_slice %arg11[%add3A_150] : memref<2048xf32, #tpu.memory_space<vmem_shared>> -> memref<256xf32, #tpu.memory_space<vmem_shared>>
        tpu.enqueue_dma source(%dma_start3A_498 : memref<256xf32, #tpu.memory_space<vmem_shared>>) target(%arg9 : memref<256xf32, #tpu.memory_space<vmem>>) target_semaphore(%run_scoped3A : memref<!tpu.dma_semaphore, #tpu.memory_space<semaphore_mem>>)
        %dma_wait3A = tpu.memref_slice %arg11[%add3A_150] : memref<2048xf32, #tpu.memory_space<vmem_shared>> -> memref<256xf32, #tpu.memory_space<vmem_shared>>
        %dma_wait3A_499 = tpu.memref_slice %arg11[%add3A_150] : memref<2048xf32, #tpu.memory_space<vmem_shared>> -> memref<256xf32, #tpu.memory_space<vmem_shared>>
        tpu.wait_dma2 semaphore(%run_scoped3A : memref<!tpu.dma_semaphore, #tpu.memory_space<semaphore_mem>>) src(%dma_wait3A_499 : memref<256xf32, #tpu.memory_space<vmem_shared>>) dst(%arg9 : memref<256xf32, #tpu.memory_space<vmem>>)
        tpu.yield
      }) : () -> ()
      %get3A_151 = arith.constant 0 : index
      %get3A_152 = tpu.vector_load %arg9[%get3A_151] {strides = array<i32>} : memref<256xf32, #tpu.memory_space<vmem>>, vector<16xf32>,
      %get3A_153 = arith.constant 16 : index
      %get3A_154 = tpu.vector_load %arg9[%get3A_153] {strides = array<i32>} : memref<256xf32, #tpu.memory_space<vmem>>, vector<16xf32>,
      %get3A_155 = arith.constant 32 : index
      %get3A_156 = tpu.vector_load %arg9[%get3A_155] {strides = array<i32>} : memref<256xf32, #tpu.memory_space<vmem>>, vector<16xf32>,
      %get3A_157 = arith.constant 48 : index
      %get3A_158 = tpu.vector_load %arg9[%get3A_157] {strides = array<i32>} : memref<256xf32, #tpu.memory_space<vmem>>, vector<16xf32>,
      %get3A_159 = arith.constant 64 : index
      %get3A_160 = tpu.vector_load %arg9[%get3A_159] {strides = array<i32>} : memref<256xf32, #tpu.memory_space<vmem>>, vector<16xf32>,
      %gt3A = arith.cmpf ogt, %get3A_160, %get3A_152 : vector<16xf32>
      %get3A_161 = arith.constant 64 : index
      %get3A_162 = tpu.vector_load %arg9[%get3A_161] {strides = array<i32>} : memref<256xf32, #tpu.memory_space<vmem>>, vector<16xf32>,
      %select_n3A_163 = arith.select %gt3A, %get3A_162, %get3A_152 : vector<16xi1>, vector<16xf32>
      %get3A_164 = arith.constant 80 : index
      %get3A_165 = tpu.vector_load %arg9[%get3A_164] {strides = array<i32>} : memref<256xf32, #tpu.memory_space<vmem>>, vector<16xf32>,
      %select_n3A_166 = arith.select %gt3A, %get3A_165, %get3A_154 : vector<16xi1>, vector<16xf32>
      %get3A_167 = arith.constant 96 : index
      %get3A_168 = tpu.vector_load %arg9[%get3A_167] {strides = array<i32>} : memref<256xf32, #tpu.memory_space<vmem>>, vector<16xf32>,
      %select_n3A_169 = arith.select %gt3A, %get3A_168, %get3A_156 : vector<16xi1>, vector<16xf32>
      %get3A_170 = arith.constant 112 : index
      %get3A_171 = tpu.vector_load %arg9[%get3A_170] {strides = array<i32>} : memref<256xf32, #tpu.memory_space<vmem>>, vector<16xf32>,
      %select_n3A_172 = arith.select %gt3A, %get3A_171, %get3A_158 : vector<16xi1>, vector<16xf32>
      %get3A_173 = arith.constant 128 : index
      %get3A_174 = tpu.vector_load %arg9[%get3A_173] {strides = array<i32>} : memref<256xf32, #tpu.memory_space<vmem>>, vector<16xf32>,
      %gt3A_175 = arith.cmpf ogt, %get3A_174, %select_n3A_163 : vector<16xf32>
      %get3A_176 = arith.constant 128 : index
      %get3A_177 = tpu.vector_load %arg9[%get3A_176] {strides = array<i32>} : memref<256xf32, #tpu.memory_space<vmem>>, vector<16xf32>,
      %select_n3A_178 = arith.select %gt3A_175, %get3A_177, %select_n3A_163 : vector<16xi1>, vector<16xf32>
      %get3A_179 = arith.constant 144 : index
      %get3A_180 = tpu.vector_load %arg9[%get3A_179] {strides = array<i32>} : memref<256xf32, #tpu.memory_space<vmem>>, vector<16xf32>,
      %select_n3A_181 = arith.select %gt3A_175, %get3A_180, %select_n3A_166 : vector<16xi1>, vector<16xf32>
      %get3A_182 = arith.constant 160 : index
      %get3A_183 = tpu.vector_load %arg9[%get3A_182] {strides = array<i32>} : memref<256xf32, #tpu.memory_space<vmem>>, vector<16xf32>,
      %select_n3A_184 = arith.select %gt3A_175, %get3A_183, %select_n3A_169 : vector<16xi1>, vector<16xf32>
      %get3A_185 = arith.constant 176 : index
      %get3A_186 = tpu.vector_load %arg9[%get3A_185] {strides = array<i32>} : memref<256xf32, #tpu.memory_space<vmem>>, vector<16xf32>,
      %select_n3A_187 = arith.select %gt3A_175, %get3A_186, %select_n3A_172 : vector<16xi1>, vector<16xf32>
      %get3A_188 = arith.constant 192 : index
      %get3A_189 = tpu.vector_load %arg9[%get3A_188] {strides = array<i32>} : memref<256xf32, #tpu.memory_space<vmem>>, vector<16xf32>,
      %gt3A_190 = arith.cmpf ogt, %get3A_189, %select_n3A_178 : vector<16xf32>
      %get3A_191 = arith.constant 192 : index
      %get3A_192 = tpu.vector_load %arg9[%get3A_191] {strides = array<i32>} : memref<256xf32, #tpu.memory_space<vmem>>, vector<16xf32>,
      %select_n3A_193 = arith.select %gt3A_190, %get3A_192, %select_n3A_178 : vector<16xi1>, vector<16xf32>
      %get3A_194 = arith.constant 208 : index
      %get3A_195 = tpu.vector_load %arg9[%get3A_194] {strides = array<i32>} : memref<256xf32, #tpu.memory_space<vmem>>, vector<16xf32>,
      %select_n3A_196 = arith.select %gt3A_190, %get3A_195, %select_n3A_181 : vector<16xi1>, vector<16xf32>
      %get3A_197 = arith.constant 224 : index
      %get3A_198 = tpu.vector_load %arg9[%get3A_197] {strides = array<i32>} : memref<256xf32, #tpu.memory_space<vmem>>, vector<16xf32>,
      %select_n3A_199 = arith.select %gt3A_190, %get3A_198, %select_n3A_184 : vector<16xi1>, vector<16xf32>
      %get3A_200 = arith.constant 240 : index
      %get3A_201 = tpu.vector_load %arg9[%get3A_200] {strides = array<i32>} : memref<256xf32, #tpu.memory_space<vmem>>, vector<16xf32>,
      %select_n3A_202 = arith.select %gt3A_190, %get3A_201, %select_n3A_187 : vector<16xi1>, vector<16xf32>
      %eq3A_203 = arith.constant 1 : i32
      %eq3A_204 = vector.broadcast %eq3A_203 : i32 to vector<16xi32>
      %eq3A_205 = arith.cmpi eq, %iota3A, %eq3A_204 : vector<16xi32>
      %eq3A_206 = arith.constant 2 : i32
      %eq3A_207 = vector.broadcast %eq3A_206 : i32 to vector<16xi32>
      %eq3A_208 = arith.cmpi eq, %iota3A, %eq3A_207 : vector<16xi32>
      %eq3A_209 = arith.constant 3 : i32
      %eq3A_210 = vector.broadcast %eq3A_209 : i32 to vector<16xi32>
      %eq3A_211 = arith.cmpi eq, %iota3A, %eq3A_210 : vector<16xi32>
      %select_n3A_212 = arith.select %eq3A_211, %select_n3A_202, %select_n3A_193 : vector<16xi1>, vector<16xf32>
      %select_n3A_213 = arith.select %eq3A_208, %select_n3A_199, %select_n3A_212 : vector<16xi1>, vector<16xf32>
      %select_n3A_214 = arith.select %eq3A_205, %select_n3A_196, %select_n3A_213 : vector<16xi1>, vector<16xf32>
      %mul3A_215 = arith.constant 16 : i32
      %mul3A_216 = arith.muli %mul3A_146, %mul3A_215 : i32
      %swap3A_217 = arith.index_cast %mul3A_216 : i32 to index
      %swap3A_218 = tpu.vector_load %arg10[%swap3A_217] {strides = array<i32>} : memref<8192xf32, #tpu.memory_space<vmem>>, vector<16xf32>,
      tpu.vector_store %arg10[%swap3A_217], %select_n3A_214 {strides = array<i32>} : memref<8192xf32, #tpu.memory_space<vmem>>, vector<16xf32>,
      %broadcast_in_dim3A_219 = arith.constant -3.000000e+38 : f32
      %broadcast_in_dim3A_220 = vector.broadcast %broadcast_in_dim3A_219 : f32 to vector<16xf32>
      %parallel_loop3A = arith.constant 0 : i32
      %parallel_loop3A_221 = arith.constant 4096 : i32
      %parallel_loop3A_222 = arith.constant 16 : i32
      %parallel_loop3A_223:2 = scf.for %parallel_loop3A_498 = %parallel_loop3A to %parallel_loop3A_221 step %parallel_loop3A_222 iter_args(%parallel_loop3A_499 = %broadcast_in_dim3A_220, %parallel_loop3A_500 = %broadcast_in_dim3A_64) -> (vector<16xf32>, vector<16xi32>)  : i32 {
        %parallel_loop3A_501 = arith.index_cast %parallel_loop3A_498 : i32 to index
        %parallel_loop3A_502 = tpu.vector_load %arg4[%parallel_loop3A_501] {strides = array<i32>} : memref<4096xf32, #tpu.memory_space<vmem>>, vector<16xf32>,
        %parallel_loop3A_503 = arith.index_cast %parallel_loop3A_498 : i32 to index
        %parallel_loop3A_504 = tpu.vector_load %arg5[%parallel_loop3A_503] {strides = array<i32>} : memref<4096xf32, #tpu.memory_space<vmem>>, vector<16xf32>,
        %parallel_loop3A_505 = arith.index_cast %parallel_loop3A_498 : i32 to index
        %parallel_loop3A_506 = tpu.vector_load %arg6[%parallel_loop3A_505] {strides = array<i32>} : memref<4096xf32, #tpu.memory_space<vmem>>, vector<16xf32>,
        %parallel_loop3A_507 = arith.subf %parallel_loop3A_502, %select_n3A_196 : vector<16xf32>
        %parallel_loop3A_508 = arith.subf %parallel_loop3A_504, %select_n3A_199 : vector<16xf32>
        %parallel_loop3A_509 = arith.subf %parallel_loop3A_506, %select_n3A_202 : vector<16xf32>
        %parallel_loop3A_510 = arith.mulf %parallel_loop3A_507, %parallel_loop3A_507 : vector<16xf32>
        %parallel_loop3A_511 = arith.mulf %parallel_loop3A_508, %parallel_loop3A_508 : vector<16xf32>
        %parallel_loop3A_512 = arith.addf %parallel_loop3A_510, %parallel_loop3A_511 : vector<16xf32>
        %parallel_loop3A_513 = arith.mulf %parallel_loop3A_509, %parallel_loop3A_509 : vector<16xf32>
        %parallel_loop3A_514 = arith.addf %parallel_loop3A_512, %parallel_loop3A_513 : vector<16xf32>
        %parallel_loop3A_515 = arith.index_cast %parallel_loop3A_498 : i32 to index
        %parallel_loop3A_516 = tpu.vector_load %arg7[%parallel_loop3A_515] {strides = array<i32>} : memref<4096xf32, #tpu.memory_space<vmem>>, vector<16xf32>,
        %parallel_loop3A_517 = arith.minimumf %parallel_loop3A_516, %parallel_loop3A_514 : vector<16xf32>
        %parallel_loop3A_518 = arith.index_cast %parallel_loop3A_498 : i32 to index
        %parallel_loop3A_519 = tpu.vector_load %arg7[%parallel_loop3A_518] {strides = array<i32>} : memref<4096xf32, #tpu.memory_space<vmem>>, vector<16xf32>,
        tpu.vector_store %arg7[%parallel_loop3A_518], %parallel_loop3A_517 {strides = array<i32>} : memref<4096xf32, #tpu.memory_space<vmem>>, vector<16xf32>,
        %parallel_loop3A_520 = arith.cmpf ogt, %parallel_loop3A_517, %parallel_loop3A_499 : vector<16xf32>
        %parallel_loop3A_521 = arith.select %parallel_loop3A_520, %parallel_loop3A_517, %parallel_loop3A_499 : vector<16xi1>, vector<16xf32>
        %parallel_loop3A_522 = vector.broadcast %parallel_loop3A_498 : i32 to vector<16xi32>
        %parallel_loop3A_523 = arith.addi %iota3A, %parallel_loop3A_522 : vector<16xi32>
        %parallel_loop3A_524 = arith.select %parallel_loop3A_520, %parallel_loop3A_523, %parallel_loop3A_500 : vector<16xi1>, vector<16xi32>
        scf.yield %parallel_loop3A_521, %parallel_loop3A_524 : vector<16xf32>, vector<16xi32>
      } {sc.loop_unroll_factor = 8 : i64, sc.parallel_access}
      %reduce_max3A_224 = arith.constant true
      %reduce_max3A_225 = vector.broadcast %reduce_max3A_224 : i1 to vector<16xi1>
      %reduce_max3A_226 = tpu.scan <max>, %parallel_loop3A_223#0 masked %reduce_max3A_225 : vector<16xf32>, vector<16xi1> -> vector<16xf32>
      %reduce_max3A_227 = vector.extract %reduce_max3A_226[15] : f32 from vector<16xf32>
      %broadcast_in_dim3A_228 = vector.broadcast %reduce_max3A_227 : f32 to vector<16xf32>
      %eq3A_229 = arith.cmpf oeq, %parallel_loop3A_223#0, %broadcast_in_dim3A_228 : vector<16xf32>
      %broadcast_in_dim3A_230 = arith.constant 1073741824 : i32
      %broadcast_in_dim3A_231 = vector.broadcast %broadcast_in_dim3A_230 : i32 to vector<16xi32>
      %select_n3A_232 = arith.select %eq3A_229, %parallel_loop3A_223#1, %broadcast_in_dim3A_231 : vector<16xi1>, vector<16xi32>
      %reduce_min3A = arith.constant true
      %reduce_min3A_233 = vector.broadcast %reduce_min3A : i1 to vector<16xi1>
      %reduce_min3A_234 = arith.constant -2147483648 : i32
      %reduce_min3A_235 = vector.broadcast %reduce_min3A_234 : i32 to vector<16xi32>
      %reduce_min3A_236 = arith.xori %select_n3A_232, %reduce_min3A_235 : vector<16xi32>
      %reduce_min3A_237 = tpu.scan <min>, %reduce_min3A_236 masked %reduce_min3A_233 : vector<16xi32>, vector<16xi1> -> vector<16xi32>
      %reduce_min3A_238 = arith.xori %reduce_min3A_237, %reduce_min3A_235 : vector<16xi32>
      %reduce_min3A_239 = vector.extract %reduce_min3A_238[15] : i32 from vector<16xi32>
      %jit3A_240 = arith.constant 16 : i32
      %div3A_241 = arith.divsi %reduce_min3A_239, %jit3A_240 : i32
      %sign3A_242 = arith.constant 0 : i32
      %sign3A_243 = arith.cmpi sgt, %reduce_min3A_239, %sign3A_242 : i32
      %sign3A_244 = arith.extui %sign3A_243 : i1 to i32
      %sign3A_245 = arith.constant 0 : i32
      %sign3A_246 = arith.cmpi slt, %reduce_min3A_239, %sign3A_245 : i32
      %sign3A_247 = arith.extui %sign3A_246 : i1 to i32
      %sign3A_248 = arith.subi %sign3A_244, %sign3A_247 : i32
      %sign3A_249 = arith.constant 0 : i32
      %sign3A_250 = arith.cmpi sgt, %jit3A_240, %sign3A_249 : i32
      %sign3A_251 = arith.extui %sign3A_250 : i1 to i32
      %sign3A_252 = arith.constant 0 : i32
      %sign3A_253 = arith.cmpi slt, %jit3A_240, %sign3A_252 : i32
      %sign3A_254 = arith.extui %sign3A_253 : i1 to i32
      %sign3A_255 = arith.subi %sign3A_251, %sign3A_254 : i32
      %ne3A_256 = arith.cmpi ne, %sign3A_248, %sign3A_255 : i32
      %rem3A_257 = arith.remsi %reduce_min3A_239, %jit3A_240 : i32
      %ne3A_258 = arith.constant 0 : i32
      %ne3A_259 = arith.cmpi ne, %rem3A_257, %ne3A_258 : i32
      %and3A_260 = arith.andi %ne3A_256, %ne3A_259 : i1
      %sub3A_261 = arith.constant 1 : i32
      %sub3A_262 = arith.subi %div3A_241, %sub3A_261 : i32
      %select_n3A_263 = arith.select %and3A_260, %sub3A_262, %div3A_241 : i32
      %mul3A_264 = arith.constant 16 : i32
      %mul3A_265 = arith.muli %select_n3A_263, %mul3A_264 : i32
      %sub3A_266 = arith.subi %reduce_min3A_239, %mul3A_265 : i32
      %swap3A_267 = arith.constant 0 : index
      %swap3A_268 = tpu.vector_load %arg8[%swap3A_267] {strides = array<i32>} : memref<64xf32, #tpu.memory_space<vmem>>, vector<16xf32>,
      tpu.vector_store %arg8[%swap3A_267], %broadcast_in_dim3A_228 {strides = array<i32>} : memref<64xf32, #tpu.memory_space<vmem>>, vector<16xf32>,
      %get3A_269 = arith.index_cast %mul3A_265 : i32 to index
      %get3A_270 = tpu.vector_load %arg4[%get3A_269] {strides = array<i32>} : memref<4096xf32, #tpu.memory_space<vmem>>, vector<16xf32>,
      %broadcast_in_dim3A_271 = vector.broadcast %sub3A_266 : i32 to vector<16xi32>
      %eq3A_272 = arith.cmpi eq, %iota3A, %broadcast_in_dim3A_271 : vector<16xi32>
      %broadcast_in_dim3A_273 = arith.constant -3.000000e+38 : f32
      %broadcast_in_dim3A_274 = vector.broadcast %broadcast_in_dim3A_273 : f32 to vector<16xf32>
      %select_n3A_275 = arith.select %eq3A_272, %get3A_270, %broadcast_in_dim3A_274 : vector<16xi1>, vector<16xf32>
      %reduce_max3A_276 = arith.constant true
      %reduce_max3A_277 = vector.broadcast %reduce_max3A_276 : i1 to vector<16xi1>
      %reduce_max3A_278 = tpu.scan <max>, %select_n3A_275 masked %reduce_max3A_277 : vector<16xf32>, vector<16xi1> -> vector<16xf32>
      %reduce_max3A_279 = vector.extract %reduce_max3A_278[15] : f32 from vector<16xf32>
      %broadcast_in_dim3A_280 = vector.broadcast %reduce_max3A_279 : f32 to vector<16xf32>
      %swap3A_281 = arith.constant 16 : index
      %swap3A_282 = tpu.vector_load %arg8[%swap3A_281] {strides = array<i32>} : memref<64xf32, #tpu.memory_space<vmem>>, vector<16xf32>,
      tpu.vector_store %arg8[%swap3A_281], %broadcast_in_dim3A_280 {strides = array<i32>} : memref<64xf32, #tpu.memory_space<vmem>>, vector<16xf32>,
      %get3A_283 = arith.index_cast %mul3A_265 : i32 to index
      %get3A_284 = tpu.vector_load %arg5[%get3A_283] {strides = array<i32>} : memref<4096xf32, #tpu.memory_space<vmem>>, vector<16xf32>,
      %broadcast_in_dim3A_285 = vector.broadcast %sub3A_266 : i32 to vector<16xi32>
      %eq3A_286 = arith.cmpi eq, %iota3A, %broadcast_in_dim3A_285 : vector<16xi32>
      %broadcast_in_dim3A_287 = arith.constant -3.000000e+38 : f32
      %broadcast_in_dim3A_288 = vector.broadcast %broadcast_in_dim3A_287 : f32 to vector<16xf32>
      %select_n3A_289 = arith.select %eq3A_286, %get3A_284, %broadcast_in_dim3A_288 : vector<16xi1>, vector<16xf32>
      %reduce_max3A_290 = arith.constant true
      %reduce_max3A_291 = vector.broadcast %reduce_max3A_290 : i1 to vector<16xi1>
      %reduce_max3A_292 = tpu.scan <max>, %select_n3A_289 masked %reduce_max3A_291 : vector<16xf32>, vector<16xi1> -> vector<16xf32>
      %reduce_max3A_293 = vector.extract %reduce_max3A_292[15] : f32 from vector<16xf32>
      %broadcast_in_dim3A_294 = vector.broadcast %reduce_max3A_293 : f32 to vector<16xf32>
      %swap3A_295 = arith.constant 32 : index
      %swap3A_296 = tpu.vector_load %arg8[%swap3A_295] {strides = array<i32>} : memref<64xf32, #tpu.memory_space<vmem>>, vector<16xf32>,
      tpu.vector_store %arg8[%swap3A_295], %broadcast_in_dim3A_294 {strides = array<i32>} : memref<64xf32, #tpu.memory_space<vmem>>, vector<16xf32>,
      %get3A_297 = arith.index_cast %mul3A_265 : i32 to index
      %get3A_298 = tpu.vector_load %arg6[%get3A_297] {strides = array<i32>} : memref<4096xf32, #tpu.memory_space<vmem>>, vector<16xf32>,
      %broadcast_in_dim3A_299 = vector.broadcast %sub3A_266 : i32 to vector<16xi32>
      %eq3A_300 = arith.cmpi eq, %iota3A, %broadcast_in_dim3A_299 : vector<16xi32>
      %broadcast_in_dim3A_301 = arith.constant -3.000000e+38 : f32
      %broadcast_in_dim3A_302 = vector.broadcast %broadcast_in_dim3A_301 : f32 to vector<16xf32>
      %select_n3A_303 = arith.select %eq3A_300, %get3A_298, %broadcast_in_dim3A_302 : vector<16xi1>, vector<16xf32>
      %reduce_max3A_304 = arith.constant true
      %reduce_max3A_305 = vector.broadcast %reduce_max3A_304 : i1 to vector<16xi1>
      %reduce_max3A_306 = tpu.scan <max>, %select_n3A_303 masked %reduce_max3A_305 : vector<16xf32>, vector<16xi1> -> vector<16xf32>
      %reduce_max3A_307 = vector.extract %reduce_max3A_306[15] : f32 from vector<16xf32>
      %broadcast_in_dim3A_308 = vector.broadcast %reduce_max3A_307 : f32 to vector<16xf32>
      %swap3A_309 = arith.constant 48 : index
      %swap3A_310 = tpu.vector_load %arg8[%swap3A_309] {strides = array<i32>} : memref<64xf32, #tpu.memory_space<vmem>>, vector<16xf32>,
      tpu.vector_store %arg8[%swap3A_309], %broadcast_in_dim3A_308 {strides = array<i32>} : memref<64xf32, #tpu.memory_space<vmem>>, vector<16xf32>,
      %mul3A_311 = arith.constant 4 : i32
      %mul3A_312 = arith.muli %select_n3A_40, %mul3A_311 : i32
      %add3A_313 = arith.addi %mul3A_312, %select_n3A_54 : i32
      %mul3A_314 = arith.constant 64 : i32
      %mul3A_315 = arith.muli %add3A_313, %mul3A_314 : i32
      %add3A_316 = arith.constant 1024 : i32
      %add3A_317 = arith.addi %add3A_316, %mul3A_315 : i32
      "tpu.region"() ({
        %run_scoped3A = tpu.sem_alloc : memref<!tpu.dma_semaphore, #tpu.memory_space<semaphore_mem>>
        %dma_start3A = tpu.memref_slice %arg11[%add3A_317] : memref<2048xf32, #tpu.memory_space<vmem_shared>> -> memref<64xf32, #tpu.memory_space<vmem_shared>>
        %dma_start3A_498 = tpu.memref_slice %arg11[%add3A_317] : memref<2048xf32, #tpu.memory_space<vmem_shared>> -> memref<64xf32, #tpu.memory_space<vmem_shared>>
        tpu.enqueue_dma source(%arg8 : memref<64xf32, #tpu.memory_space<vmem>>) target(%dma_start3A_498 : memref<64xf32, #tpu.memory_space<vmem_shared>>) target_semaphore(%run_scoped3A : memref<!tpu.dma_semaphore, #tpu.memory_space<semaphore_mem>>)
        %dma_wait3A = tpu.memref_slice %arg11[%add3A_317] : memref<2048xf32, #tpu.memory_space<vmem_shared>> -> memref<64xf32, #tpu.memory_space<vmem_shared>>
        %dma_wait3A_499 = tpu.memref_slice %arg11[%add3A_317] : memref<2048xf32, #tpu.memory_space<vmem_shared>> -> memref<64xf32, #tpu.memory_space<vmem_shared>>
        tpu.wait_dma2 semaphore(%run_scoped3A : memref<!tpu.dma_semaphore, #tpu.memory_space<semaphore_mem>>) src(%arg8 : memref<64xf32, #tpu.memory_space<vmem>>) dst(%dma_wait3A_499 : memref<64xf32, #tpu.memory_space<vmem_shared>>)
        tpu.yield
      }) : () -> ()
      %barrier3A_318 = arith.constant 0 : index
      tpu.barrier barrier_id(%barrier3A_318)
      %mul3A_319 = arith.constant 2 : i32
      %mul3A_320 = arith.muli %mul3A_319, %scan3A_144 : i32
      %add3A_321 = arith.constant 1 : i32
      %add3A_322 = arith.addi %mul3A_320, %add3A_321 : i32
      %mul3A_323 = arith.constant 256 : i32
      %mul3A_324 = arith.muli %select_n3A_40, %mul3A_323 : i32
      %add3A_325 = arith.constant 1024 : i32
      %add3A_326 = arith.addi %add3A_325, %mul3A_324 : i32
      "tpu.region"() ({
        %run_scoped3A = tpu.sem_alloc : memref<!tpu.dma_semaphore, #tpu.memory_space<semaphore_mem>>
        %dma_start3A = tpu.memref_slice %arg11[%add3A_326] : memref<2048xf32, #tpu.memory_space<vmem_shared>> -> memref<256xf32, #tpu.memory_space<vmem_shared>>
        %dma_start3A_498 = tpu.memref_slice %arg11[%add3A_326] : memref<2048xf32, #tpu.memory_space<vmem_shared>> -> memref<256xf32, #tpu.memory_space<vmem_shared>>
        tpu.enqueue_dma source(%dma_start3A_498 : memref<256xf32, #tpu.memory_space<vmem_shared>>) target(%arg9 : memref<256xf32, #tpu.memory_space<vmem>>) target_semaphore(%run_scoped3A : memref<!tpu.dma_semaphore, #tpu.memory_space<semaphore_mem>>)
        %dma_wait3A = tpu.memref_slice %arg11[%add3A_326] : memref<2048xf32, #tpu.memory_space<vmem_shared>> -> memref<256xf32, #tpu.memory_space<vmem_shared>>
        %dma_wait3A_499 = tpu.memref_slice %arg11[%add3A_326] : memref<2048xf32, #tpu.memory_space<vmem_shared>> -> memref<256xf32, #tpu.memory_space<vmem_shared>>
        tpu.wait_dma2 semaphore(%run_scoped3A : memref<!tpu.dma_semaphore, #tpu.memory_space<semaphore_mem>>) src(%dma_wait3A_499 : memref<256xf32, #tpu.memory_space<vmem_shared>>) dst(%arg9 : memref<256xf32, #tpu.memory_space<vmem>>)
        tpu.yield
      }) : () -> ()
      %get3A_327 = arith.constant 0 : index
      %get3A_328 = tpu.vector_load %arg9[%get3A_327] {strides = array<i32>} : memref<256xf32, #tpu.memory_space<vmem>>, vector<16xf32>,
      %get3A_329 = arith.constant 16 : index
      %get3A_330 = tpu.vector_load %arg9[%get3A_329] {strides = array<i32>} : memref<256xf32, #tpu.memory_space<vmem>>, vector<16xf32>,
      %get3A_331 = arith.constant 32 : index
      %get3A_332 = tpu.vector_load %arg9[%get3A_331] {strides = array<i32>} : memref<256xf32, #tpu.memory_space<vmem>>, vector<16xf32>,
      %get3A_333 = arith.constant 48 : index
      %get3A_334 = tpu.vector_load %arg9[%get3A_333] {strides = array<i32>} : memref<256xf32, #tpu.memory_space<vmem>>, vector<16xf32>,
      %get3A_335 = arith.constant 64 : index
      %get3A_336 = tpu.vector_load %arg9[%get3A_335] {strides = array<i32>} : memref<256xf32, #tpu.memory_space<vmem>>, vector<16xf32>,
      %gt3A_337 = arith.cmpf ogt, %get3A_336, %get3A_328 : vector<16xf32>
      %get3A_338 = arith.constant 64 : index
      %get3A_339 = tpu.vector_load %arg9[%get3A_338] {strides = array<i32>} : memref<256xf32, #tpu.memory_space<vmem>>, vector<16xf32>,
      %select_n3A_340 = arith.select %gt3A_337, %get3A_339, %get3A_328 : vector<16xi1>, vector<16xf32>
      %get3A_341 = arith.constant 80 : index
      %get3A_342 = tpu.vector_load %arg9[%get3A_341] {strides = array<i32>} : memref<256xf32, #tpu.memory_space<vmem>>, vector<16xf32>,
      %select_n3A_343 = arith.select %gt3A_337, %get3A_342, %get3A_330 : vector<16xi1>, vector<16xf32>
      %get3A_344 = arith.constant 96 : index
      %get3A_345 = tpu.vector_load %arg9[%get3A_344] {strides = array<i32>} : memref<256xf32, #tpu.memory_space<vmem>>, vector<16xf32>,
      %select_n3A_346 = arith.select %gt3A_337, %get3A_345, %get3A_332 : vector<16xi1>, vector<16xf32>
      %get3A_347 = arith.constant 112 : index
      %get3A_348 = tpu.vector_load %arg9[%get3A_347] {strides = array<i32>} : memref<256xf32, #tpu.memory_space<vmem>>, vector<16xf32>,
      %select_n3A_349 = arith.select %gt3A_337, %get3A_348, %get3A_334 : vector<16xi1>, vector<16xf32>
      %get3A_350 = arith.constant 128 : index
      %get3A_351 = tpu.vector_load %arg9[%get3A_350] {strides = array<i32>} : memref<256xf32, #tpu.memory_space<vmem>>, vector<16xf32>,
      %gt3A_352 = arith.cmpf ogt, %get3A_351, %select_n3A_340 : vector<16xf32>
      %get3A_353 = arith.constant 128 : index
      %get3A_354 = tpu.vector_load %arg9[%get3A_353] {strides = array<i32>} : memref<256xf32, #tpu.memory_space<vmem>>, vector<16xf32>,
      %select_n3A_355 = arith.select %gt3A_352, %get3A_354, %select_n3A_340 : vector<16xi1>, vector<16xf32>
      %get3A_356 = arith.constant 144 : index
      %get3A_357 = tpu.vector_load %arg9[%get3A_356] {strides = array<i32>} : memref<256xf32, #tpu.memory_space<vmem>>, vector<16xf32>,
      %select_n3A_358 = arith.select %gt3A_352, %get3A_357, %select_n3A_343 : vector<16xi1>, vector<16xf32>
      %get3A_359 = arith.constant 160 : index
      %get3A_360 = tpu.vector_load %arg9[%get3A_359] {strides = array<i32>} : memref<256xf32, #tpu.memory_space<vmem>>, vector<16xf32>,
      %select_n3A_361 = arith.select %gt3A_352, %get3A_360, %select_n3A_346 : vector<16xi1>, vector<16xf32>
      %get3A_362 = arith.constant 176 : index
      %get3A_363 = tpu.vector_load %arg9[%get3A_362] {strides = array<i32>} : memref<256xf32, #tpu.memory_space<vmem>>, vector<16xf32>,
      %select_n3A_364 = arith.select %gt3A_352, %get3A_363, %select_n3A_349 : vector<16xi1>, vector<16xf32>
      %get3A_365 = arith.constant 192 : index
      %get3A_366 = tpu.vector_load %arg9[%get3A_365] {strides = array<i32>} : memref<256xf32, #tpu.memory_space<vmem>>, vector<16xf32>,
      %gt3A_367 = arith.cmpf ogt, %get3A_366, %select_n3A_355 : vector<16xf32>
      %get3A_368 = arith.constant 192 : index
      %get3A_369 = tpu.vector_load %arg9[%get3A_368] {strides = array<i32>} : memref<256xf32, #tpu.memory_space<vmem>>, vector<16xf32>,
      %select_n3A_370 = arith.select %gt3A_367, %get3A_369, %select_n3A_355 : vector<16xi1>, vector<16xf32>
      %get3A_371 = arith.constant 208 : index
      %get3A_372 = tpu.vector_load %arg9[%get3A_371] {strides = array<i32>} : memref<256xf32, #tpu.memory_space<vmem>>, vector<16xf32>,
      %select_n3A_373 = arith.select %gt3A_367, %get3A_372, %select_n3A_358 : vector<16xi1>, vector<16xf32>
      %get3A_374 = arith.constant 224 : index
      %get3A_375 = tpu.vector_load %arg9[%get3A_374] {strides = array<i32>} : memref<256xf32, #tpu.memory_space<vmem>>, vector<16xf32>,
      %select_n3A_376 = arith.select %gt3A_367, %get3A_375, %select_n3A_361 : vector<16xi1>, vector<16xf32>
      %get3A_377 = arith.constant 240 : index
      %get3A_378 = tpu.vector_load %arg9[%get3A_377] {strides = array<i32>} : memref<256xf32, #tpu.memory_space<vmem>>, vector<16xf32>,
      %select_n3A_379 = arith.select %gt3A_367, %get3A_378, %select_n3A_364 : vector<16xi1>, vector<16xf32>
      %eq3A_380 = arith.constant 1 : i32
      %eq3A_381 = vector.broadcast %eq3A_380 : i32 to vector<16xi32>
      %eq3A_382 = arith.cmpi eq, %iota3A, %eq3A_381 : vector<16xi32>
      %eq3A_383 = arith.constant 2 : i32
      %eq3A_384 = vector.broadcast %eq3A_383 : i32 to vector<16xi32>
      %eq3A_385 = arith.cmpi eq, %iota3A, %eq3A_384 : vector<16xi32>
      %eq3A_386 = arith.constant 3 : i32
      %eq3A_387 = vector.broadcast %eq3A_386 : i32 to vector<16xi32>
      %eq3A_388 = arith.cmpi eq, %iota3A, %eq3A_387 : vector<16xi32>
      %select_n3A_389 = arith.select %eq3A_388, %select_n3A_379, %select_n3A_370 : vector<16xi1>, vector<16xf32>
      %select_n3A_390 = arith.select %eq3A_385, %select_n3A_376, %select_n3A_389 : vector<16xi1>, vector<16xf32>
      %select_n3A_391 = arith.select %eq3A_382, %select_n3A_373, %select_n3A_390 : vector<16xi1>, vector<16xf32>
      %mul3A_392 = arith.constant 16 : i32
      %mul3A_393 = arith.muli %add3A_322, %mul3A_392 : i32
      %swap3A_394 = arith.index_cast %mul3A_393 : i32 to index
      %swap3A_395 = tpu.vector_load %arg10[%swap3A_394] {strides = array<i32>} : memref<8192xf32, #tpu.memory_space<vmem>>, vector<16xf32>,
      tpu.vector_store %arg10[%swap3A_394], %select_n3A_391 {strides = array<i32>} : memref<8192xf32, #tpu.memory_space<vmem>>, vector<16xf32>,
      %broadcast_in_dim3A_396 = arith.constant -3.000000e+38 : f32
      %broadcast_in_dim3A_397 = vector.broadcast %broadcast_in_dim3A_396 : f32 to vector<16xf32>
      %parallel_loop3A_398 = arith.constant 0 : i32
      %parallel_loop3A_399 = arith.constant 4096 : i32
      %parallel_loop3A_400 = arith.constant 16 : i32
      %parallel_loop3A_401:2 = scf.for %parallel_loop3A_498 = %parallel_loop3A_398 to %parallel_loop3A_399 step %parallel_loop3A_400 iter_args(%parallel_loop3A_499 = %broadcast_in_dim3A_397, %parallel_loop3A_500 = %broadcast_in_dim3A_64) -> (vector<16xf32>, vector<16xi32>)  : i32 {
        %parallel_loop3A_501 = arith.index_cast %parallel_loop3A_498 : i32 to index
        %parallel_loop3A_502 = tpu.vector_load %arg4[%parallel_loop3A_501] {strides = array<i32>} : memref<4096xf32, #tpu.memory_space<vmem>>, vector<16xf32>,
        %parallel_loop3A_503 = arith.index_cast %parallel_loop3A_498 : i32 to index
        %parallel_loop3A_504 = tpu.vector_load %arg5[%parallel_loop3A_503] {strides = array<i32>} : memref<4096xf32, #tpu.memory_space<vmem>>, vector<16xf32>,
        %parallel_loop3A_505 = arith.index_cast %parallel_loop3A_498 : i32 to index
        %parallel_loop3A_506 = tpu.vector_load %arg6[%parallel_loop3A_505] {strides = array<i32>} : memref<4096xf32, #tpu.memory_space<vmem>>, vector<16xf32>,
        %parallel_loop3A_507 = arith.subf %parallel_loop3A_502, %select_n3A_373 : vector<16xf32>
        %parallel_loop3A_508 = arith.subf %parallel_loop3A_504, %select_n3A_376 : vector<16xf32>
        %parallel_loop3A_509 = arith.subf %parallel_loop3A_506, %select_n3A_379 : vector<16xf32>
        %parallel_loop3A_510 = arith.mulf %parallel_loop3A_507, %parallel_loop3A_507 : vector<16xf32>
        %parallel_loop3A_511 = arith.mulf %parallel_loop3A_508, %parallel_loop3A_508 : vector<16xf32>
        %parallel_loop3A_512 = arith.addf %parallel_loop3A_510, %parallel_loop3A_511 : vector<16xf32>
        %parallel_loop3A_513 = arith.mulf %parallel_loop3A_509, %parallel_loop3A_509 : vector<16xf32>
        %parallel_loop3A_514 = arith.addf %parallel_loop3A_512, %parallel_loop3A_513 : vector<16xf32>
        %parallel_loop3A_515 = arith.index_cast %parallel_loop3A_498 : i32 to index
        %parallel_loop3A_516 = tpu.vector_load %arg7[%parallel_loop3A_515] {strides = array<i32>} : memref<4096xf32, #tpu.memory_space<vmem>>, vector<16xf32>,
        %parallel_loop3A_517 = arith.minimumf %parallel_loop3A_516, %parallel_loop3A_514 : vector<16xf32>
        %parallel_loop3A_518 = arith.index_cast %parallel_loop3A_498 : i32 to index
        %parallel_loop3A_519 = tpu.vector_load %arg7[%parallel_loop3A_518] {strides = array<i32>} : memref<4096xf32, #tpu.memory_space<vmem>>, vector<16xf32>,
        tpu.vector_store %arg7[%parallel_loop3A_518], %parallel_loop3A_517 {strides = array<i32>} : memref<4096xf32, #tpu.memory_space<vmem>>, vector<16xf32>,
        %parallel_loop3A_520 = arith.cmpf ogt, %parallel_loop3A_517, %parallel_loop3A_499 : vector<16xf32>
        %parallel_loop3A_521 = arith.select %parallel_loop3A_520, %parallel_loop3A_517, %parallel_loop3A_499 : vector<16xi1>, vector<16xf32>
        %parallel_loop3A_522 = vector.broadcast %parallel_loop3A_498 : i32 to vector<16xi32>
        %parallel_loop3A_523 = arith.addi %iota3A, %parallel_loop3A_522 : vector<16xi32>
        %parallel_loop3A_524 = arith.select %parallel_loop3A_520, %parallel_loop3A_523, %parallel_loop3A_500 : vector<16xi1>, vector<16xi32>
        scf.yield %parallel_loop3A_521, %parallel_loop3A_524 : vector<16xf32>, vector<16xi32>
      } {sc.loop_unroll_factor = 8 : i64, sc.parallel_access}
      %reduce_max3A_402 = arith.constant true
      %reduce_max3A_403 = vector.broadcast %reduce_max3A_402 : i1 to vector<16xi1>
      %reduce_max3A_404 = tpu.scan <max>, %parallel_loop3A_401#0 masked %reduce_max3A_403 : vector<16xf32>, vector<16xi1> -> vector<16xf32>
      %reduce_max3A_405 = vector.extract %reduce_max3A_404[15] : f32 from vector<16xf32>
      %broadcast_in_dim3A_406 = vector.broadcast %reduce_max3A_405 : f32 to vector<16xf32>
      %eq3A_407 = arith.cmpf oeq, %parallel_loop3A_401#0, %broadcast_in_dim3A_406 : vector<16xf32>
      %broadcast_in_dim3A_408 = arith.constant 1073741824 : i32
      %broadcast_in_dim3A_409 = vector.broadcast %broadcast_in_dim3A_408 : i32 to vector<16xi32>
      %select_n3A_410 = arith.select %eq3A_407, %parallel_loop3A_401#1, %broadcast_in_dim3A_409 : vector<16xi1>, vector<16xi32>
      %reduce_min3A_411 = arith.constant true
      %reduce_min3A_412 = vector.broadcast %reduce_min3A_411 : i1 to vector<16xi1>
      %reduce_min3A_413 = arith.constant -2147483648 : i32
      %reduce_min3A_414 = vector.broadcast %reduce_min3A_413 : i32 to vector<16xi32>
      %reduce_min3A_415 = arith.xori %select_n3A_410, %reduce_min3A_414 : vector<16xi32>
      %reduce_min3A_416 = tpu.scan <min>, %reduce_min3A_415 masked %reduce_min3A_412 : vector<16xi32>, vector<16xi1> -> vector<16xi32>
      %reduce_min3A_417 = arith.xori %reduce_min3A_416, %reduce_min3A_414 : vector<16xi32>
      %reduce_min3A_418 = vector.extract %reduce_min3A_417[15] : i32 from vector<16xi32>
      %jit3A_419 = arith.constant 16 : i32
      %div3A_420 = arith.divsi %reduce_min3A_418, %jit3A_419 : i32
      %sign3A_421 = arith.constant 0 : i32
      %sign3A_422 = arith.cmpi sgt, %reduce_min3A_418, %sign3A_421 : i32
      %sign3A_423 = arith.extui %sign3A_422 : i1 to i32
      %sign3A_424 = arith.constant 0 : i32
      %sign3A_425 = arith.cmpi slt, %reduce_min3A_418, %sign3A_424 : i32
      %sign3A_426 = arith.extui %sign3A_425 : i1 to i32
      %sign3A_427 = arith.subi %sign3A_423, %sign3A_426 : i32
      %sign3A_428 = arith.constant 0 : i32
      %sign3A_429 = arith.cmpi sgt, %jit3A_419, %sign3A_428 : i32
      %sign3A_430 = arith.extui %sign3A_429 : i1 to i32
      %sign3A_431 = arith.constant 0 : i32
      %sign3A_432 = arith.cmpi slt, %jit3A_419, %sign3A_431 : i32
      %sign3A_433 = arith.extui %sign3A_432 : i1 to i32
      %sign3A_434 = arith.subi %sign3A_430, %sign3A_433 : i32
      %ne3A_435 = arith.cmpi ne, %sign3A_427, %sign3A_434 : i32
      %rem3A_436 = arith.remsi %reduce_min3A_418, %jit3A_419 : i32
      %ne3A_437 = arith.constant 0 : i32
      %ne3A_438 = arith.cmpi ne, %rem3A_436, %ne3A_437 : i32
      %and3A_439 = arith.andi %ne3A_435, %ne3A_438 : i1
      %sub3A_440 = arith.constant 1 : i32
      %sub3A_441 = arith.subi %div3A_420, %sub3A_440 : i32
      %select_n3A_442 = arith.select %and3A_439, %sub3A_441, %div3A_420 : i32
      %mul3A_443 = arith.constant 16 : i32
      %mul3A_444 = arith.muli %select_n3A_442, %mul3A_443 : i32
      %sub3A_445 = arith.subi %reduce_min3A_418, %mul3A_444 : i32
      %swap3A_446 = arith.constant 0 : index
      %swap3A_447 = tpu.vector_load %arg8[%swap3A_446] {strides = array<i32>} : memref<64xf32, #tpu.memory_space<vmem>>, vector<16xf32>,
      tpu.vector_store %arg8[%swap3A_446], %broadcast_in_dim3A_406 {strides = array<i32>} : memref<64xf32, #tpu.memory_space<vmem>>, vector<16xf32>,
      %get3A_448 = arith.index_cast %mul3A_444 : i32 to index
      %get3A_449 = tpu.vector_load %arg4[%get3A_448] {strides = array<i32>} : memref<4096xf32, #tpu.memory_space<vmem>>, vector<16xf32>,
      %broadcast_in_dim3A_450 = vector.broadcast %sub3A_445 : i32 to vector<16xi32>
      %eq3A_451 = arith.cmpi eq, %iota3A, %broadcast_in_dim3A_450 : vector<16xi32>
      %broadcast_in_dim3A_452 = arith.constant -3.000000e+38 : f32
      %broadcast_in_dim3A_453 = vector.broadcast %broadcast_in_dim3A_452 : f32 to vector<16xf32>
      %select_n3A_454 = arith.select %eq3A_451, %get3A_449, %broadcast_in_dim3A_453 : vector<16xi1>, vector<16xf32>
      %reduce_max3A_455 = arith.constant true
      %reduce_max3A_456 = vector.broadcast %reduce_max3A_455 : i1 to vector<16xi1>
      %reduce_max3A_457 = tpu.scan <max>, %select_n3A_454 masked %reduce_max3A_456 : vector<16xf32>, vector<16xi1> -> vector<16xf32>
      %reduce_max3A_458 = vector.extract %reduce_max3A_457[15] : f32 from vector<16xf32>
      %broadcast_in_dim3A_459 = vector.broadcast %reduce_max3A_458 : f32 to vector<16xf32>
      %swap3A_460 = arith.constant 16 : index
      %swap3A_461 = tpu.vector_load %arg8[%swap3A_460] {strides = array<i32>} : memref<64xf32, #tpu.memory_space<vmem>>, vector<16xf32>,
      tpu.vector_store %arg8[%swap3A_460], %broadcast_in_dim3A_459 {strides = array<i32>} : memref<64xf32, #tpu.memory_space<vmem>>, vector<16xf32>,
      %get3A_462 = arith.index_cast %mul3A_444 : i32 to index
      %get3A_463 = tpu.vector_load %arg5[%get3A_462] {strides = array<i32>} : memref<4096xf32, #tpu.memory_space<vmem>>, vector<16xf32>,
      %broadcast_in_dim3A_464 = vector.broadcast %sub3A_445 : i32 to vector<16xi32>
      %eq3A_465 = arith.cmpi eq, %iota3A, %broadcast_in_dim3A_464 : vector<16xi32>
      %broadcast_in_dim3A_466 = arith.constant -3.000000e+38 : f32
      %broadcast_in_dim3A_467 = vector.broadcast %broadcast_in_dim3A_466 : f32 to vector<16xf32>
      %select_n3A_468 = arith.select %eq3A_465, %get3A_463, %broadcast_in_dim3A_467 : vector<16xi1>, vector<16xf32>
      %reduce_max3A_469 = arith.constant true
      %reduce_max3A_470 = vector.broadcast %reduce_max3A_469 : i1 to vector<16xi1>
      %reduce_max3A_471 = tpu.scan <max>, %select_n3A_468 masked %reduce_max3A_470 : vector<16xf32>, vector<16xi1> -> vector<16xf32>
      %reduce_max3A_472 = vector.extract %reduce_max3A_471[15] : f32 from vector<16xf32>
      %broadcast_in_dim3A_473 = vector.broadcast %reduce_max3A_472 : f32 to vector<16xf32>
      %swap3A_474 = arith.constant 32 : index
      %swap3A_475 = tpu.vector_load %arg8[%swap3A_474] {strides = array<i32>} : memref<64xf32, #tpu.memory_space<vmem>>, vector<16xf32>,
      tpu.vector_store %arg8[%swap3A_474], %broadcast_in_dim3A_473 {strides = array<i32>} : memref<64xf32, #tpu.memory_space<vmem>>, vector<16xf32>,
      %get3A_476 = arith.index_cast %mul3A_444 : i32 to index
      %get3A_477 = tpu.vector_load %arg6[%get3A_476] {strides = array<i32>} : memref<4096xf32, #tpu.memory_space<vmem>>, vector<16xf32>,
      %broadcast_in_dim3A_478 = vector.broadcast %sub3A_445 : i32 to vector<16xi32>
      %eq3A_479 = arith.cmpi eq, %iota3A, %broadcast_in_dim3A_478 : vector<16xi32>
      %broadcast_in_dim3A_480 = arith.constant -3.000000e+38 : f32
      %broadcast_in_dim3A_481 = vector.broadcast %broadcast_in_dim3A_480 : f32 to vector<16xf32>
      %select_n3A_482 = arith.select %eq3A_479, %get3A_477, %broadcast_in_dim3A_481 : vector<16xi1>, vector<16xf32>
      %reduce_max3A_483 = arith.constant true
      %reduce_max3A_484 = vector.broadcast %reduce_max3A_483 : i1 to vector<16xi1>
      %reduce_max3A_485 = tpu.scan <max>, %select_n3A_482 masked %reduce_max3A_484 : vector<16xf32>, vector<16xi1> -> vector<16xf32>
      %reduce_max3A_486 = vector.extract %reduce_max3A_485[15] : f32 from vector<16xf32>
      %broadcast_in_dim3A_487 = vector.broadcast %reduce_max3A_486 : f32 to vector<16xf32>
      %swap3A_488 = arith.constant 48 : index
      %swap3A_489 = tpu.vector_load %arg8[%swap3A_488] {strides = array<i32>} : memref<64xf32, #tpu.memory_space<vmem>>, vector<16xf32>,
      tpu.vector_store %arg8[%swap3A_488], %broadcast_in_dim3A_487 {strides = array<i32>} : memref<64xf32, #tpu.memory_space<vmem>>, vector<16xf32>,
      %mul3A_490 = arith.constant 4 : i32
      %mul3A_491 = arith.muli %select_n3A_40, %mul3A_490 : i32
      %add3A_492 = arith.addi %mul3A_491, %select_n3A_54 : i32
      %mul3A_493 = arith.constant 64 : i32
      %mul3A_494 = arith.muli %add3A_492, %mul3A_493 : i32
      %add3A_495 = arith.constant 0 : i32
      %add3A_496 = arith.addi %add3A_495, %mul3A_494 : i32
      "tpu.region"() ({
        %run_scoped3A = tpu.sem_alloc : memref<!tpu.dma_semaphore, #tpu.memory_space<semaphore_mem>>
        %dma_start3A = tpu.memref_slice %arg11[%add3A_496] : memref<2048xf32, #tpu.memory_space<vmem_shared>> -> memref<64xf32, #tpu.memory_space<vmem_shared>>
        %dma_start3A_498 = tpu.memref_slice %arg11[%add3A_496] : memref<2048xf32, #tpu.memory_space<vmem_shared>> -> memref<64xf32, #tpu.memory_space<vmem_shared>>
        tpu.enqueue_dma source(%arg8 : memref<64xf32, #tpu.memory_space<vmem>>) target(%dma_start3A_498 : memref<64xf32, #tpu.memory_space<vmem_shared>>) target_semaphore(%run_scoped3A : memref<!tpu.dma_semaphore, #tpu.memory_space<semaphore_mem>>)
        %dma_wait3A = tpu.memref_slice %arg11[%add3A_496] : memref<2048xf32, #tpu.memory_space<vmem_shared>> -> memref<64xf32, #tpu.memory_space<vmem_shared>>
        %dma_wait3A_499 = tpu.memref_slice %arg11[%add3A_496] : memref<2048xf32, #tpu.memory_space<vmem_shared>> -> memref<64xf32, #tpu.memory_space<vmem_shared>>
        tpu.wait_dma2 semaphore(%run_scoped3A : memref<!tpu.dma_semaphore, #tpu.memory_space<semaphore_mem>>) src(%arg8 : memref<64xf32, #tpu.memory_space<vmem>>) dst(%dma_wait3A_499 : memref<64xf32, #tpu.memory_space<vmem_shared>>)
        tpu.yield
      }) : () -> ()
      %barrier3A_497 = arith.constant 0 : index
      tpu.barrier barrier_id(%barrier3A_497)
    }
    %scan3A_140 = arith.constant 256 : i32
    %eq3A_141 = arith.constant 0 : i32
    %eq3A_142 = arith.cmpi eq, %select_n3A_54, %eq3A_141 : i32
    %convert_element_type3A = arith.extui %eq3A_142 : i1 to i32
    %cond3A = arith.constant 0 : i32
    %cond3A_143 = arith.cmpi ne, %convert_element_type3A, %cond3A : i32
    scf.if %cond3A_143 {
      %mul3A_144 = arith.constant 8192 : i32
      %mul3A_145 = arith.muli %add3A, %mul3A_144 : i32
      "tpu.region"() ({
        %run_scoped3A = tpu.sem_alloc : memref<!tpu.dma_semaphore, #tpu.memory_space<semaphore_mem>>
        %dma_start3A = tpu.memref_slice %arg3[%mul3A_145] : memref<65536xf32, #tpu.memory_space<hbm>> -> memref<8192xf32, #tpu.memory_space<hbm>>
        %dma_start3A_146 = tpu.memref_slice %arg3[%mul3A_145] : memref<65536xf32, #tpu.memory_space<hbm>> -> memref<8192xf32, #tpu.memory_space<hbm>>
        tpu.enqueue_dma source(%arg10 : memref<8192xf32, #tpu.memory_space<vmem>>) target(%dma_start3A_146 : memref<8192xf32, #tpu.memory_space<hbm>>) target_semaphore(%run_scoped3A : memref<!tpu.dma_semaphore, #tpu.memory_space<semaphore_mem>>)
        %dma_wait3A = tpu.memref_slice %arg3[%mul3A_145] : memref<65536xf32, #tpu.memory_space<hbm>> -> memref<8192xf32, #tpu.memory_space<hbm>>
        %dma_wait3A_147 = tpu.memref_slice %arg3[%mul3A_145] : memref<65536xf32, #tpu.memory_space<hbm>> -> memref<8192xf32, #tpu.memory_space<hbm>>
        tpu.wait_dma2 semaphore(%run_scoped3A : memref<!tpu.dma_semaphore, #tpu.memory_space<semaphore_mem>>) src(%arg10 : memref<8192xf32, #tpu.memory_space<vmem>>) dst(%dma_wait3A_147 : memref<8192xf32, #tpu.memory_space<hbm>>)
        tpu.yield
      }) : () -> ()
    } else {
    }
    return
  }
}

module attributes {stable_mosaic.version = 14 : i64} {
  func.func @_stats0_body(%arg0: i32, %arg1: memref<16384x32xf32, #tpu.memory_space<vmem>>, %arg2: memref<32x32xf32, #tpu.memory_space<vmem>>, %arg3: memref<1x32xf32, #tpu.memory_space<vmem>>) attributes {dimension_semantics = [#tpu.dimension_semantics<arbitrary>], iteration_bounds = array<i64: 8>, scalar_prefetch = 0 : i64, scratch_operands = 0 : i64, tpu.core_type = #tpu.core_type<tc>, window_params = [{transform_indices = @transform_0, window_bounds = array<i64: 16384, 32>}, {pipeline_mode = #tpu.pipeline_mode<synchronous>, transform_indices = @transform_1, window_bounds = array<i64: 32, 32>}, {pipeline_mode = #tpu.pipeline_mode<synchronous>, transform_indices = @transform_2, window_bounds = array<i64: 1, 32>}]} {
    %get3A = arith.constant 0 : index
    %get3A_0 = arith.constant 0 : index
    %get3A_1 = vector.load %arg1[%get3A, %get3A_0] : memref<16384x32xf32, #tpu.memory_space<vmem>>, vector<16384x32xf32>
    %eq3A = arith.constant 0 : i32
    %eq3A_2 = arith.cmpi eq, %arg0, %eq3A : i32
    %convert_element_type3A = arith.extui %eq3A_2 : i1 to i32
    %cond3A = arith.constant 0 : i32
    %cond3A_3 = arith.cmpi ne, %convert_element_type3A, %cond3A : i32
    scf.if %cond3A_3 {
      %broadcast_in_dim3A_18 = arith.constant 0.000000e+00 : f32
      %broadcast_in_dim3A_19 = vector.broadcast %broadcast_in_dim3A_18 : f32 to vector<32x32xf32>
      %swap3A_20 = arith.constant 0 : index
      %swap3A_21 = arith.constant 0 : index
      %swap3A_22 = vector.load %arg2[%swap3A_20, %swap3A_21] : memref<32x32xf32, #tpu.memory_space<vmem>>, vector<32x32xf32>
      tpu.vector_store %arg2[%swap3A_20, %swap3A_21], %broadcast_in_dim3A_19 {strides = array<i32>} : memref<32x32xf32, #tpu.memory_space<vmem>>, vector<32x32xf32>,
      %broadcast_in_dim3A_23 = arith.constant 0.000000e+00 : f32
      %broadcast_in_dim3A_24 = vector.broadcast %broadcast_in_dim3A_23 : f32 to vector<1x32xf32>
      %swap3A_25 = arith.constant 0 : index
      %swap3A_26 = arith.constant 0 : index
      %swap3A_27 = vector.load %arg3[%swap3A_25, %swap3A_26] : memref<1x32xf32, #tpu.memory_space<vmem>>, vector<1x32xf32>
      tpu.vector_store %arg3[%swap3A_25, %swap3A_26], %broadcast_in_dim3A_24 {strides = array<i32>} : memref<1x32xf32, #tpu.memory_space<vmem>>, vector<1x32xf32>,
    } else {
    }
    %get3A_4 = arith.constant 0 : index
    %get3A_5 = arith.constant 0 : index
    %get3A_6 = vector.load %arg2[%get3A_4, %get3A_5] : memref<32x32xf32, #tpu.memory_space<vmem>>, vector<32x32xf32>
    %dot_general3A = arith.constant dense<0.000000e+00> : vector<32x32xf32>
    %dot_general3A_7 = tpu.matmul %get3A_1, %get3A_1, %dot_general3A {dimension_numbers = #tpu.dot_dimension_numbers<[0], [0], [1], [1], [0, 1, 1, 1], [], []>, transpose_lhs_hint = false} : vector<16384x32xf32>, vector<16384x32xf32>, vector<32x32xf32> -> vector<32x32xf32>
    %add3A = arith.addf %get3A_6, %dot_general3A_7 : vector<32x32xf32>
    %swap3A = arith.constant 0 : index
    %swap3A_8 = arith.constant 0 : index
    %swap3A_9 = vector.load %arg2[%swap3A, %swap3A_8] : memref<32x32xf32, #tpu.memory_space<vmem>>, vector<32x32xf32>
    tpu.vector_store %arg2[%swap3A, %swap3A_8], %add3A {strides = array<i32>} : memref<32x32xf32, #tpu.memory_space<vmem>>, vector<32x32xf32>,
    %get3A_10 = arith.constant 0 : index
    %get3A_11 = arith.constant 0 : index
    %get3A_12 = vector.load %arg3[%get3A_10, %get3A_11] : memref<1x32xf32, #tpu.memory_space<vmem>>, vector<1x32xf32>
    %reduce_sum3A = arith.constant dense<0.000000e+00> : vector<32xf32>
    %reduce_sum3A_13 = vector.multi_reduction <add>, %get3A_1, %reduce_sum3A [0] : vector<16384x32xf32> to vector<32xf32>
    %broadcast_in_dim3A = vector.shape_cast %reduce_sum3A_13 : vector<32xf32> to vector<1x32xf32>
    %add3A_14 = arith.addf %get3A_12, %broadcast_in_dim3A : vector<1x32xf32>
    %swap3A_15 = arith.constant 0 : index
    %swap3A_16 = arith.constant 0 : index
    %swap3A_17 = vector.load %arg3[%swap3A_15, %swap3A_16] : memref<1x32xf32, #tpu.memory_space<vmem>>, vector<1x32xf32>
    tpu.vector_store %arg3[%swap3A_15, %swap3A_16], %add3A_14 {strides = array<i32>} : memref<1x32xf32, #tpu.memory_space<vmem>>, vector<1x32xf32>,
    return
  }
  func.func @transform_0(%arg0: i32) -> (i32, i32) {
    %c0_i32 = arith.constant 0 : i32
    %c0_i32_0 = arith.constant 0 : i32
    return %arg0, %c0_i32 : i32, i32
  }
  func.func @transform_1(%arg0: i32) -> (i32, i32) {
    %c0_i32 = arith.constant 0 : i32
    %c0_i32_0 = arith.constant 0 : i32
    %c0_i32_1 = arith.constant 0 : i32
    return %c0_i32, %c0_i32_0 : i32, i32
  }
  func.func @transform_2(%arg0: i32) -> (i32, i32) {
    %c0_i32 = arith.constant 0 : i32
    %c0_i32_0 = arith.constant 0 : i32
    %c0_i32_1 = arith.constant 0 : i32
    return %c0_i32, %c0_i32_0 : i32, i32
  }
}

module attributes {stable_mosaic.version = 14 : i64} {
  func.func @_zstats_body(%arg0: i32, %arg1: memref<16384x32xf32, #tpu.memory_space<vmem>>, %arg2: memref<32x32xf32, #tpu.memory_space<vmem>>, %arg3: memref<1x32xf32, #tpu.memory_space<vmem>>, %arg4: memref<32x32xf32, #tpu.memory_space<vmem>>, %arg5: memref<32xf32, #tpu.memory_space<vmem>>, %arg6: memref<32xf32, #tpu.memory_space<vmem>>, %arg7: memref<32xf32, #tpu.memory_space<vmem>>, %arg8: memref<32x32xf32, #tpu.memory_space<vmem>>, %arg9: memref<1x32xf32, #tpu.memory_space<vmem>>) attributes {dimension_semantics = [#tpu.dimension_semantics<arbitrary>], iteration_bounds = array<i64: 8>, scalar_prefetch = 0 : i64, scratch_operands = 0 : i64, tpu.core_type = #tpu.core_type<tc>, window_params = [{transform_indices = @transform_0, window_bounds = array<i64: 16384, 32>}, {pipeline_mode = #tpu.pipeline_mode<synchronous>, transform_indices = @transform_1, window_bounds = array<i64: 32, 32>}, {pipeline_mode = #tpu.pipeline_mode<synchronous>, transform_indices = @transform_2, window_bounds = array<i64: 1, 32>}, {pipeline_mode = #tpu.pipeline_mode<synchronous>, transform_indices = @transform_3, window_bounds = array<i64: 32, 32>}, {pipeline_mode = #tpu.pipeline_mode<synchronous>, transform_indices = @transform_4, window_bounds = array<i64: 32>}, {pipeline_mode = #tpu.pipeline_mode<synchronous>, transform_indices = @transform_5, window_bounds = array<i64: 32>}, {pipeline_mode = #tpu.pipeline_mode<synchronous>, transform_indices = @transform_6, window_bounds = array<i64: 32>}, {pipeline_mode = #tpu.pipeline_mode<synchronous>, transform_indices = @transform_7, window_bounds = array<i64: 32, 32>}, {pipeline_mode = #tpu.pipeline_mode<synchronous>, transform_indices = @transform_8, window_bounds = array<i64: 1, 32>}]} {
    %get3A = arith.constant 0 : index
    %get3A_0 = arith.constant 0 : index
    %get3A_1 = vector.load %arg4[%get3A, %get3A_0] : memref<32x32xf32, #tpu.memory_space<vmem>>, vector<32x32xf32>
    %get3A_2 = arith.constant 0 : index
    %get3A_3 = vector.load %arg5[%get3A_2] : memref<32xf32, #tpu.memory_space<vmem>>, vector<32xf32>
    %get3A_4 = arith.constant 0 : index
    %get3A_5 = vector.load %arg6[%get3A_4] : memref<32xf32, #tpu.memory_space<vmem>>, vector<32xf32>
    %get3A_6 = arith.constant 0 : index
    %get3A_7 = vector.load %arg7[%get3A_6] : memref<32xf32, #tpu.memory_space<vmem>>, vector<32xf32>
    %get3A_8 = arith.constant 0 : index
    %get3A_9 = arith.constant 0 : index
    %get3A_10 = vector.load %arg3[%get3A_8, %get3A_9] : memref<1x32xf32, #tpu.memory_space<vmem>>, vector<1x32xf32>
    %div3A = arith.constant 1.310720e+05 : f32
    %div3A_11 = vector.broadcast %div3A : f32 to vector<1x32xf32>
    %div3A_12 = arith.divf %get3A_10, %div3A_11 : vector<1x32xf32>
    %get3A_13 = arith.constant 0 : index
    %get3A_14 = arith.constant 0 : index
    %get3A_15 = vector.load %arg2[%get3A_13, %get3A_14] : memref<32x32xf32, #tpu.memory_space<vmem>>, vector<32x32xf32>
    %div3A_16 = arith.constant 1.310720e+05 : f32
    %div3A_17 = vector.broadcast %div3A_16 : f32 to vector<32x32xf32>
    %div3A_18 = arith.divf %get3A_15, %div3A_17 : vector<32x32xf32>
    %dot_general3A = arith.constant dense<0.000000e+00> : vector<32x32xf32>
    %dot_general3A_19 = tpu.matmul %div3A_12, %div3A_12, %dot_general3A {dimension_numbers = #tpu.dot_dimension_numbers<[0], [0], [1], [1], [0, 1, 1, 1], [], []>, transpose_lhs_hint = false} : vector<1x32xf32>, vector<1x32xf32>, vector<32x32xf32> -> vector<32x32xf32>
    %sub3A = arith.subf %div3A_18, %dot_general3A_19 : vector<32x32xf32>
    %dot_general3A_20 = arith.constant dense<0.000000e+00> : vector<32x32xf32>
    %dot_general3A_21 = tpu.matmul %get3A_1, %sub3A, %dot_general3A_20 {dimension_numbers = #tpu.dot_dimension_numbers<[1], [0], [0], [1], [0, 0, 1, 1], [], []>, transpose_lhs_hint = false} : vector<32x32xf32>, vector<32x32xf32>, vector<32x32xf32> -> vector<32x32xf32>
    %dot_general3A_22 = arith.constant dense<0.000000e+00> : vector<32x32xf32>
    %dot_general3A_23 = tpu.matmul %dot_general3A_21, %get3A_1, %dot_general3A_22 {dimension_numbers = #tpu.dot_dimension_numbers<[1], [1], [0], [0], [0, 0, 1, 0], [], []>, transpose_lhs_hint = false} : vector<32x32xf32>, vector<32x32xf32>, vector<32x32xf32> -> vector<32x32xf32>
    %iota3A = tpu.iota {dimensions = array<i32: 0>} : vector<32x32xi32>
    %iota3A_24 = tpu.iota {dimensions = array<i32: 1>} : vector<32x32xi32>
    %eq3A = arith.cmpi eq, %iota3A, %iota3A_24 : vector<32x32xi32>
    %convert_element_type3A = arith.extui %eq3A : vector<32x32xi1> to vector<32x32xi32>
    %convert_element_type3A_25 = arith.sitofp %convert_element_type3A : vector<32x32xi32> to vector<32x32xf32>
    %mul3A = arith.mulf %dot_general3A_23, %convert_element_type3A_25 : vector<32x32xf32>
    %reduce_sum3A = arith.constant dense<0.000000e+00> : vector<32xf32>
    %reduce_sum3A_26 = vector.multi_reduction <add>, %mul3A, %reduce_sum3A [1] : vector<32x32xf32> to vector<32xf32>
    %transpose3A = tpu.transpose %get3A_1, [1, 0] : vector<32x32xf32> -> vector<32x32xf32>
    %dot_general3A_27 = arith.constant dense<0.000000e+00> : vector<1x32xf32>
    %dot_general3A_28 = tpu.matmul %div3A_12, %transpose3A, %dot_general3A_27 {dimension_numbers = #tpu.dot_dimension_numbers<[1], [0], [0], [1], [0, 0, 1, 1], [], []>, transpose_lhs_hint = false} : vector<1x32xf32>, vector<32x32xf32>, vector<1x32xf32> -> vector<1x32xf32>
    %squeeze3A = vector.shape_cast %dot_general3A_28 : vector<1x32xf32> to vector<32xf32>
    %add3A = arith.addf %squeeze3A, %get3A_3 : vector<32xf32>
    %add3A_29 = arith.constant 9.99999974E-6 : f32
    %add3A_30 = vector.broadcast %add3A_29 : f32 to vector<32xf32>
    %add3A_31 = arith.addf %reduce_sum3A_26, %add3A_30 : vector<32xf32>
    %rsqrt3A = math.rsqrt %add3A_31 : vector<32xf32>
    %mul3A_32 = arith.mulf %get3A_5, %rsqrt3A : vector<32xf32>
    %broadcast_in_dim3A = vector.shape_cast %mul3A_32 : vector<32xf32> to vector<32x1xf32>
    %mul3A_33 = vector.broadcast %broadcast_in_dim3A : vector<32x1xf32> to vector<32x32xf32>
    %mul3A_34 = arith.mulf %get3A_1, %mul3A_33 : vector<32x32xf32>
    %sub3A_35 = arith.subf %get3A_3, %add3A : vector<32xf32>
    %mul3A_36 = arith.mulf %mul3A_32, %sub3A_35 : vector<32xf32>
    %add3A_37 = arith.addf %mul3A_36, %get3A_7 : vector<32xf32>
    %get3A_38 = arith.constant 0 : index
    %get3A_39 = arith.constant 0 : index
    %get3A_40 = vector.load %arg1[%get3A_38, %get3A_39] : memref<16384x32xf32, #tpu.memory_space<vmem>>, vector<16384x32xf32>
    %dot_general3A_41 = arith.constant dense<0.000000e+00> : vector<16384x32xf32>
    %dot_general3A_42 = tpu.matmul %get3A_40, %mul3A_34, %dot_general3A_41 {dimension_numbers = #tpu.dot_dimension_numbers<[1], [1], [0], [0], [0, 0, 1, 0], [], []>, transpose_lhs_hint = false} : vector<16384x32xf32>, vector<32x32xf32>, vector<16384x32xf32> -> vector<16384x32xf32>
    %broadcast_in_dim3A_43 = vector.shape_cast %add3A_37 : vector<32xf32> to vector<1x32xf32>
    %add3A_44 = vector.broadcast %broadcast_in_dim3A_43 : vector<1x32xf32> to vector<16384x32xf32>
    %add3A_45 = arith.addf %dot_general3A_42, %add3A_44 : vector<16384x32xf32>
    %max3A = arith.constant 0.000000e+00 : f32
    %max3A_46 = vector.broadcast %max3A : f32 to vector<16384x32xf32>
    %max3A_47 = arith.maximumf %add3A_45, %max3A_46 : vector<16384x32xf32>
    %eq3A_48 = arith.constant 0 : i32
    %eq3A_49 = arith.cmpi eq, %arg0, %eq3A_48 : i32
    %convert_element_type3A_50 = arith.extui %eq3A_49 : i1 to i32
    %cond3A = arith.constant 0 : i32
    %cond3A_51 = arith.cmpi ne, %convert_element_type3A_50, %cond3A : i32
    scf.if %cond3A_51 {
      %broadcast_in_dim3A_70 = arith.constant 0.000000e+00 : f32
      %broadcast_in_dim3A_71 = vector.broadcast %broadcast_in_dim3A_70 : f32 to vector<32x32xf32>
      %swap3A_72 = arith.constant 0 : index
      %swap3A_73 = arith.constant 0 : index
      %swap3A_74 = vector.load %arg8[%swap3A_72, %swap3A_73] : memref<32x32xf32, #tpu.memory_space<vmem>>, vector<32x32xf32>
      tpu.vector_store %arg8[%swap3A_72, %swap3A_73], %broadcast_in_dim3A_71 {strides = array<i32>} : memref<32x32xf32, #tpu.memory_space<vmem>>, vector<32x32xf32>,
      %broadcast_in_dim3A_75 = arith.constant 0.000000e+00 : f32
      %broadcast_in_dim3A_76 = vector.broadcast %broadcast_in_dim3A_75 : f32 to vector<1x32xf32>
      %swap3A_77 = arith.constant 0 : index
      %swap3A_78 = arith.constant 0 : index
      %swap3A_79 = vector.load %arg9[%swap3A_77, %swap3A_78] : memref<1x32xf32, #tpu.memory_space<vmem>>, vector<1x32xf32>
      tpu.vector_store %arg9[%swap3A_77, %swap3A_78], %broadcast_in_dim3A_76 {strides = array<i32>} : memref<1x32xf32, #tpu.memory_space<vmem>>, vector<1x32xf32>,
    } else {
    }
    %get3A_52 = arith.constant 0 : index
    %get3A_53 = arith.constant 0 : index
    %get3A_54 = vector.load %arg8[%get3A_52, %get3A_53] : memref<32x32xf32, #tpu.memory_space<vmem>>, vector<32x32xf32>
    %dot_general3A_55 = arith.constant dense<0.000000e+00> : vector<32x32xf32>
    %dot_general3A_56 = tpu.matmul %max3A_47, %max3A_47, %dot_general3A_55 {dimension_numbers = #tpu.dot_dimension_numbers<[0], [0], [1], [1], [0, 1, 1, 1], [], []>, transpose_lhs_hint = false} : vector<16384x32xf32>, vector<16384x32xf32>, vector<32x32xf32> -> vector<32x32xf32>
    %add3A_57 = arith.addf %get3A_54, %dot_general3A_56 : vector<32x32xf32>
    %swap3A = arith.constant 0 : index
    %swap3A_58 = arith.constant 0 : index
    %swap3A_59 = vector.load %arg8[%swap3A, %swap3A_58] : memref<32x32xf32, #tpu.memory_space<vmem>>, vector<32x32xf32>
    tpu.vector_store %arg8[%swap3A, %swap3A_58], %add3A_57 {strides = array<i32>} : memref<32x32xf32, #tpu.memory_space<vmem>>, vector<32x32xf32>,
    %get3A_60 = arith.constant 0 : index
    %get3A_61 = arith.constant 0 : index
    %get3A_62 = vector.load %arg9[%get3A_60, %get3A_61] : memref<1x32xf32, #tpu.memory_space<vmem>>, vector<1x32xf32>
    %reduce_sum3A_63 = arith.constant dense<0.000000e+00> : vector<32xf32>
    %reduce_sum3A_64 = vector.multi_reduction <add>, %max3A_47, %reduce_sum3A_63 [0] : vector<16384x32xf32> to vector<32xf32>
    %broadcast_in_dim3A_65 = vector.shape_cast %reduce_sum3A_64 : vector<32xf32> to vector<1x32xf32>
    %add3A_66 = arith.addf %get3A_62, %broadcast_in_dim3A_65 : vector<1x32xf32>
    %swap3A_67 = arith.constant 0 : index
    %swap3A_68 = arith.constant 0 : index
    %swap3A_69 = vector.load %arg9[%swap3A_67, %swap3A_68] : memref<1x32xf32, #tpu.memory_space<vmem>>, vector<1x32xf32>
    tpu.vector_store %arg9[%swap3A_67, %swap3A_68], %add3A_66 {strides = array<i32>} : memref<1x32xf32, #tpu.memory_space<vmem>>, vector<1x32xf32>,
    return
  }
  func.func @transform_0(%arg0: i32) -> (i32, i32) {
    %c0_i32 = arith.constant 0 : i32
    %c0_i32_0 = arith.constant 0 : i32
    return %arg0, %c0_i32 : i32, i32
  }
  func.func @transform_1(%arg0: i32) -> (i32, i32) {
    %c0_i32 = arith.constant 0 : i32
    %c0_i32_0 = arith.constant 0 : i32
    %c0_i32_1 = arith.constant 0 : i32
    return %c0_i32, %c0_i32_0 : i32, i32
  }
  func.func @transform_2(%arg0: i32) -> (i32, i32) {
    %c0_i32 = arith.constant 0 : i32
    %c0_i32_0 = arith.constant 0 : i32
    %c0_i32_1 = arith.constant 0 : i32
    return %c0_i32, %c0_i32_0 : i32, i32
  }
  func.func @transform_3(%arg0: i32) -> (i32, i32) {
    %c0_i32 = arith.constant 0 : i32
    %c0_i32_0 = arith.constant 0 : i32
    %c0_i32_1 = arith.constant 0 : i32
    return %c0_i32, %c0_i32_0 : i32, i32
  }
  func.func @transform_4(%arg0: i32) -> i32 {
    %c0_i32 = arith.constant 0 : i32
    %c0_i32_0 = arith.constant 0 : i32
    return %c0_i32 : i32
  }
  func.func @transform_5(%arg0: i32) -> i32 {
    %c0_i32 = arith.constant 0 : i32
    %c0_i32_0 = arith.constant 0 : i32
    return %c0_i32 : i32
  }
  func.func @transform_6(%arg0: i32) -> i32 {
    %c0_i32 = arith.constant 0 : i32
    %c0_i32_0 = arith.constant 0 : i32
    return %c0_i32 : i32
  }
  func.func @transform_7(%arg0: i32) -> (i32, i32) {
    %c0_i32 = arith.constant 0 : i32
    %c0_i32_0 = arith.constant 0 : i32
    %c0_i32_1 = arith.constant 0 : i32
    return %c0_i32, %c0_i32_0 : i32, i32
  }
  func.func @transform_8(%arg0: i32) -> (i32, i32) {
    %c0_i32 = arith.constant 0 : i32
    %c0_i32_0 = arith.constant 0 : i32
    %c0_i32_1 = arith.constant 0 : i32
    return %c0_i32, %c0_i32_0 : i32, i32
  }
}

module attributes {stable_mosaic.version = 14 : i64} {
  func.func @_final_body(%arg0: i32, %arg1: memref<16384x32xf32, #tpu.memory_space<vmem>>, %arg2: memref<32x32xf32, #tpu.memory_space<vmem>>, %arg3: memref<1x32xf32, #tpu.memory_space<vmem>>, %arg4: memref<32x32xf32, #tpu.memory_space<vmem>>, %arg5: memref<1x32xf32, #tpu.memory_space<vmem>>, %arg6: memref<32x32xf32, #tpu.memory_space<vmem>>, %arg7: memref<32xf32, #tpu.memory_space<vmem>>, %arg8: memref<32xf32, #tpu.memory_space<vmem>>, %arg9: memref<32xf32, #tpu.memory_space<vmem>>, %arg10: memref<64x32xf32, #tpu.memory_space<vmem>>, %arg11: memref<64xf32, #tpu.memory_space<vmem>>, %arg12: memref<64xf32, #tpu.memory_space<vmem>>, %arg13: memref<64xf32, #tpu.memory_space<vmem>>, %arg14: memref<1x1x64xf32, #tpu.memory_space<vmem>>) attributes {dimension_semantics = [#tpu.dimension_semantics<arbitrary>], iteration_bounds = array<i64: 8>, scalar_prefetch = 0 : i64, scratch_operands = 0 : i64, tpu.core_type = #tpu.core_type<tc>, window_params = [{transform_indices = @transform_0, window_bounds = array<i64: 16384, 32>}, {pipeline_mode = #tpu.pipeline_mode<synchronous>, transform_indices = @transform_1, window_bounds = array<i64: 32, 32>}, {pipeline_mode = #tpu.pipeline_mode<synchronous>, transform_indices = @transform_2, window_bounds = array<i64: 1, 32>}, {pipeline_mode = #tpu.pipeline_mode<synchronous>, transform_indices = @transform_3, window_bounds = array<i64: 32, 32>}, {pipeline_mode = #tpu.pipeline_mode<synchronous>, transform_indices = @transform_4, window_bounds = array<i64: 1, 32>}, {pipeline_mode = #tpu.pipeline_mode<synchronous>, transform_indices = @transform_5, window_bounds = array<i64: 32, 32>}, {pipeline_mode = #tpu.pipeline_mode<synchronous>, transform_indices = @transform_6, window_bounds = array<i64: 32>}, {pipeline_mode = #tpu.pipeline_mode<synchronous>, transform_indices = @transform_7, window_bounds = array<i64: 32>}, {pipeline_mode = #tpu.pipeline_mode<synchronous>, transform_indices = @transform_8, window_bounds = array<i64: 32>}, {pipeline_mode = #tpu.pipeline_mode<synchronous>, transform_indices = @transform_9, window_bounds = array<i64: 64, 32>}, {pipeline_mode = #tpu.pipeline_mode<synchronous>, transform_indices = @transform_10, window_bounds = array<i64: 64>}, {pipeline_mode = #tpu.pipeline_mode<synchronous>, transform_indices = @transform_11, window_bounds = array<i64: 64>}, {pipeline_mode = #tpu.pipeline_mode<synchronous>, transform_indices = @transform_12, window_bounds = array<i64: 64>}, {transform_indices = @transform_13, window_bounds = array<i64: 1, 1, 64>}]} {
    %get3A = arith.constant 0 : index
    %get3A_0 = arith.constant 0 : index
    %get3A_1 = vector.load %arg6[%get3A, %get3A_0] : memref<32x32xf32, #tpu.memory_space<vmem>>, vector<32x32xf32>
    %get3A_2 = arith.constant 0 : index
    %get3A_3 = vector.load %arg7[%get3A_2] : memref<32xf32, #tpu.memory_space<vmem>>, vector<32xf32>
    %get3A_4 = arith.constant 0 : index
    %get3A_5 = vector.load %arg8[%get3A_4] : memref<32xf32, #tpu.memory_space<vmem>>, vector<32xf32>
    %get3A_6 = arith.constant 0 : index
    %get3A_7 = vector.load %arg9[%get3A_6] : memref<32xf32, #tpu.memory_space<vmem>>, vector<32xf32>
    %get3A_8 = arith.constant 0 : index
    %get3A_9 = arith.constant 0 : index
    %get3A_10 = vector.load %arg3[%get3A_8, %get3A_9] : memref<1x32xf32, #tpu.memory_space<vmem>>, vector<1x32xf32>
    %div3A = arith.constant 1.310720e+05 : f32
    %div3A_11 = vector.broadcast %div3A : f32 to vector<1x32xf32>
    %div3A_12 = arith.divf %get3A_10, %div3A_11 : vector<1x32xf32>
    %get3A_13 = arith.constant 0 : index
    %get3A_14 = arith.constant 0 : index
    %get3A_15 = vector.load %arg2[%get3A_13, %get3A_14] : memref<32x32xf32, #tpu.memory_space<vmem>>, vector<32x32xf32>
    %div3A_16 = arith.constant 1.310720e+05 : f32
    %div3A_17 = vector.broadcast %div3A_16 : f32 to vector<32x32xf32>
    %div3A_18 = arith.divf %get3A_15, %div3A_17 : vector<32x32xf32>
    %dot_general3A = arith.constant dense<0.000000e+00> : vector<32x32xf32>
    %dot_general3A_19 = tpu.matmul %div3A_12, %div3A_12, %dot_general3A {dimension_numbers = #tpu.dot_dimension_numbers<[0], [0], [1], [1], [0, 1, 1, 1], [], []>, transpose_lhs_hint = false} : vector<1x32xf32>, vector<1x32xf32>, vector<32x32xf32> -> vector<32x32xf32>
    %sub3A = arith.subf %div3A_18, %dot_general3A_19 : vector<32x32xf32>
    %dot_general3A_20 = arith.constant dense<0.000000e+00> : vector<32x32xf32>
    %dot_general3A_21 = tpu.matmul %get3A_1, %sub3A, %dot_general3A_20 {dimension_numbers = #tpu.dot_dimension_numbers<[1], [0], [0], [1], [0, 0, 1, 1], [], []>, transpose_lhs_hint = false} : vector<32x32xf32>, vector<32x32xf32>, vector<32x32xf32> -> vector<32x32xf32>
    %dot_general3A_22 = arith.constant dense<0.000000e+00> : vector<32x32xf32>
    %dot_general3A_23 = tpu.matmul %dot_general3A_21, %get3A_1, %dot_general3A_22 {dimension_numbers = #tpu.dot_dimension_numbers<[1], [1], [0], [0], [0, 0, 1, 0], [], []>, transpose_lhs_hint = false} : vector<32x32xf32>, vector<32x32xf32>, vector<32x32xf32> -> vector<32x32xf32>
    %iota3A = tpu.iota {dimensions = array<i32: 0>} : vector<32x32xi32>
    %iota3A_24 = tpu.iota {dimensions = array<i32: 1>} : vector<32x32xi32>
    %eq3A = arith.cmpi eq, %iota3A, %iota3A_24 : vector<32x32xi32>
    %convert_element_type3A = arith.extui %eq3A : vector<32x32xi1> to vector<32x32xi32>
    %convert_element_type3A_25 = arith.sitofp %convert_element_type3A : vector<32x32xi32> to vector<32x32xf32>
    %mul3A = arith.mulf %dot_general3A_23, %convert_element_type3A_25 : vector<32x32xf32>
    %reduce_sum3A = arith.constant dense<0.000000e+00> : vector<32xf32>
    %reduce_sum3A_26 = vector.multi_reduction <add>, %mul3A, %reduce_sum3A [1] : vector<32x32xf32> to vector<32xf32>
    %transpose3A = tpu.transpose %get3A_1, [1, 0] : vector<32x32xf32> -> vector<32x32xf32>
    %dot_general3A_27 = arith.constant dense<0.000000e+00> : vector<1x32xf32>
    %dot_general3A_28 = tpu.matmul %div3A_12, %transpose3A, %dot_general3A_27 {dimension_numbers = #tpu.dot_dimension_numbers<[1], [0], [0], [1], [0, 0, 1, 1], [], []>, transpose_lhs_hint = false} : vector<1x32xf32>, vector<32x32xf32>, vector<1x32xf32> -> vector<1x32xf32>
    %squeeze3A = vector.shape_cast %dot_general3A_28 : vector<1x32xf32> to vector<32xf32>
    %add3A = arith.addf %squeeze3A, %get3A_3 : vector<32xf32>
    %add3A_29 = arith.constant 9.99999974E-6 : f32
    %add3A_30 = vector.broadcast %add3A_29 : f32 to vector<32xf32>
    %add3A_31 = arith.addf %reduce_sum3A_26, %add3A_30 : vector<32xf32>
    %rsqrt3A = math.rsqrt %add3A_31 : vector<32xf32>
    %mul3A_32 = arith.mulf %get3A_5, %rsqrt3A : vector<32xf32>
    %broadcast_in_dim3A = vector.shape_cast %mul3A_32 : vector<32xf32> to vector<32x1xf32>
    %mul3A_33 = vector.broadcast %broadcast_in_dim3A : vector<32x1xf32> to vector<32x32xf32>
    %mul3A_34 = arith.mulf %get3A_1, %mul3A_33 : vector<32x32xf32>
    %sub3A_35 = arith.subf %get3A_3, %add3A : vector<32xf32>
    %mul3A_36 = arith.mulf %mul3A_32, %sub3A_35 : vector<32xf32>
    %add3A_37 = arith.addf %mul3A_36, %get3A_7 : vector<32xf32>
    %get3A_38 = arith.constant 0 : index
    %get3A_39 = arith.constant 0 : index
    %get3A_40 = vector.load %arg10[%get3A_38, %get3A_39] : memref<64x32xf32, #tpu.memory_space<vmem>>, vector<64x32xf32>
    %get3A_41 = arith.constant 0 : index
    %get3A_42 = vector.load %arg11[%get3A_41] : memref<64xf32, #tpu.memory_space<vmem>>, vector<64xf32>
    %get3A_43 = arith.constant 0 : index
    %get3A_44 = vector.load %arg12[%get3A_43] : memref<64xf32, #tpu.memory_space<vmem>>, vector<64xf32>
    %get3A_45 = arith.constant 0 : index
    %get3A_46 = vector.load %arg13[%get3A_45] : memref<64xf32, #tpu.memory_space<vmem>>, vector<64xf32>
    %get3A_47 = arith.constant 0 : index
    %get3A_48 = arith.constant 0 : index
    %get3A_49 = vector.load %arg5[%get3A_47, %get3A_48] : memref<1x32xf32, #tpu.memory_space<vmem>>, vector<1x32xf32>
    %div3A_50 = arith.constant 1.310720e+05 : f32
    %div3A_51 = vector.broadcast %div3A_50 : f32 to vector<1x32xf32>
    %div3A_52 = arith.divf %get3A_49, %div3A_51 : vector<1x32xf32>
    %get3A_53 = arith.constant 0 : index
    %get3A_54 = arith.constant 0 : index
    %get3A_55 = vector.load %arg4[%get3A_53, %get3A_54] : memref<32x32xf32, #tpu.memory_space<vmem>>, vector<32x32xf32>
    %div3A_56 = arith.constant 1.310720e+05 : f32
    %div3A_57 = vector.broadcast %div3A_56 : f32 to vector<32x32xf32>
    %div3A_58 = arith.divf %get3A_55, %div3A_57 : vector<32x32xf32>
    %dot_general3A_59 = arith.constant dense<0.000000e+00> : vector<32x32xf32>
    %dot_general3A_60 = tpu.matmul %div3A_52, %div3A_52, %dot_general3A_59 {dimension_numbers = #tpu.dot_dimension_numbers<[0], [0], [1], [1], [0, 1, 1, 1], [], []>, transpose_lhs_hint = false} : vector<1x32xf32>, vector<1x32xf32>, vector<32x32xf32> -> vector<32x32xf32>
    %sub3A_61 = arith.subf %div3A_58, %dot_general3A_60 : vector<32x32xf32>
    %dot_general3A_62 = arith.constant dense<0.000000e+00> : vector<64x32xf32>
    %dot_general3A_63 = tpu.matmul %get3A_40, %sub3A_61, %dot_general3A_62 {dimension_numbers = #tpu.dot_dimension_numbers<[1], [0], [0], [1], [0, 0, 1, 1], [], []>, transpose_lhs_hint = false} : vector<64x32xf32>, vector<32x32xf32>, vector<64x32xf32> -> vector<64x32xf32>
    %dot_general3A_64 = arith.constant dense<0.000000e+00> : vector<64x64xf32>
    %dot_general3A_65 = tpu.matmul %dot_general3A_63, %get3A_40, %dot_general3A_64 {dimension_numbers = #tpu.dot_dimension_numbers<[1], [1], [0], [0], [0, 0, 1, 0], [], []>, transpose_lhs_hint = false} : vector<64x32xf32>, vector<64x32xf32>, vector<64x64xf32> -> vector<64x64xf32>
    %iota3A_66 = tpu.iota {dimensions = array<i32: 0>} : vector<64x64xi32>
    %iota3A_67 = tpu.iota {dimensions = array<i32: 1>} : vector<64x64xi32>
    %eq3A_68 = arith.cmpi eq, %iota3A_66, %iota3A_67 : vector<64x64xi32>
    %convert_element_type3A_69 = arith.extui %eq3A_68 : vector<64x64xi1> to vector<64x64xi32>
    %convert_element_type3A_70 = arith.sitofp %convert_element_type3A_69 : vector<64x64xi32> to vector<64x64xf32>
    %mul3A_71 = arith.mulf %dot_general3A_65, %convert_element_type3A_70 : vector<64x64xf32>
    %reduce_sum3A_72 = arith.constant dense<0.000000e+00> : vector<64xf32>
    %reduce_sum3A_73 = vector.multi_reduction <add>, %mul3A_71, %reduce_sum3A_72 [1] : vector<64x64xf32> to vector<64xf32>
    %transpose3A_74 = tpu.transpose %get3A_40, [1, 0] : vector<64x32xf32> -> vector<32x64xf32>
    %dot_general3A_75 = arith.constant dense<0.000000e+00> : vector<1x64xf32>
    %dot_general3A_76 = tpu.matmul %div3A_52, %transpose3A_74, %dot_general3A_75 {dimension_numbers = #tpu.dot_dimension_numbers<[1], [0], [0], [1], [0, 0, 1, 1], [], []>, transpose_lhs_hint = false} : vector<1x32xf32>, vector<32x64xf32>, vector<1x64xf32> -> vector<1x64xf32>
    %squeeze3A_77 = vector.shape_cast %dot_general3A_76 : vector<1x64xf32> to vector<64xf32>
    %add3A_78 = arith.addf %squeeze3A_77, %get3A_42 : vector<64xf32>
    %add3A_79 = arith.constant 9.99999974E-6 : f32
    %add3A_80 = vector.broadcast %add3A_79 : f32 to vector<64xf32>
    %add3A_81 = arith.addf %reduce_sum3A_73, %add3A_80 : vector<64xf32>
    %rsqrt3A_82 = math.rsqrt %add3A_81 : vector<64xf32>
    %mul3A_83 = arith.mulf %get3A_44, %rsqrt3A_82 : vector<64xf32>
    %broadcast_in_dim3A_84 = vector.shape_cast %mul3A_83 : vector<64xf32> to vector<64x1xf32>
    %mul3A_85 = vector.broadcast %broadcast_in_dim3A_84 : vector<64x1xf32> to vector<64x32xf32>
    %mul3A_86 = arith.mulf %get3A_40, %mul3A_85 : vector<64x32xf32>
    %sub3A_87 = arith.subf %get3A_42, %add3A_78 : vector<64xf32>
    %mul3A_88 = arith.mulf %mul3A_83, %sub3A_87 : vector<64xf32>
    %add3A_89 = arith.addf %mul3A_88, %get3A_46 : vector<64xf32>
    %get3A_90 = arith.constant 0 : index
    %get3A_91 = arith.constant 0 : index
    %get3A_92 = vector.load %arg1[%get3A_90, %get3A_91] : memref<16384x32xf32, #tpu.memory_space<vmem>>, vector<16384x32xf32>
    %dot_general3A_93 = arith.constant dense<0.000000e+00> : vector<16384x32xf32>
    %dot_general3A_94 = tpu.matmul %get3A_92, %mul3A_34, %dot_general3A_93 {dimension_numbers = #tpu.dot_dimension_numbers<[1], [1], [0], [0], [0, 0, 1, 0], [], []>, transpose_lhs_hint = false} : vector<16384x32xf32>, vector<32x32xf32>, vector<16384x32xf32> -> vector<16384x32xf32>
    %broadcast_in_dim3A_95 = vector.shape_cast %add3A_37 : vector<32xf32> to vector<1x32xf32>
    %add3A_96 = vector.broadcast %broadcast_in_dim3A_95 : vector<1x32xf32> to vector<16384x32xf32>
    %add3A_97 = arith.addf %dot_general3A_94, %add3A_96 : vector<16384x32xf32>
    %max3A = arith.constant 0.000000e+00 : f32
    %max3A_98 = vector.broadcast %max3A : f32 to vector<16384x32xf32>
    %max3A_99 = arith.maximumf %add3A_97, %max3A_98 : vector<16384x32xf32>
    %dot_general3A_100 = arith.constant dense<0.000000e+00> : vector<16384x64xf32>
    %dot_general3A_101 = tpu.matmul %max3A_99, %mul3A_86, %dot_general3A_100 {dimension_numbers = #tpu.dot_dimension_numbers<[1], [1], [0], [0], [0, 0, 1, 0], [], []>, transpose_lhs_hint = false} : vector<16384x32xf32>, vector<64x32xf32>, vector<16384x64xf32> -> vector<16384x64xf32>
    %broadcast_in_dim3A_102 = vector.shape_cast %add3A_89 : vector<64xf32> to vector<1x64xf32>
    %add3A_103 = vector.broadcast %broadcast_in_dim3A_102 : vector<1x64xf32> to vector<16384x64xf32>
    %add3A_104 = arith.addf %dot_general3A_101, %add3A_103 : vector<16384x64xf32>
    %max3A_105 = arith.constant 0.000000e+00 : f32
    %max3A_106 = vector.broadcast %max3A_105 : f32 to vector<16384x64xf32>
    %max3A_107 = arith.maximumf %add3A_104, %max3A_106 : vector<16384x64xf32>
    %jit3A = arith.constant 1 : i32
    %eq3A_108 = arith.constant 0 : i32
    %eq3A_109 = arith.cmpi eq, %jit3A, %eq3A_108 : i32
    %jit3A_110 = arith.constant 1 : i32
    %select_n3A = arith.select %eq3A_109, %jit3A_110, %jit3A : i32
    %rem3A = arith.remsi %arg0, %select_n3A : i32
    %ne3A = arith.constant 0 : i32
    %ne3A_111 = arith.cmpi ne, %rem3A, %ne3A : i32
    %lt3A = arith.constant 0 : i32
    %lt3A_112 = arith.cmpi slt, %rem3A, %lt3A : i32
    %lt3A_113 = arith.constant 0 : i32
    %lt3A_114 = arith.cmpi slt, %select_n3A, %lt3A_113 : i32
    %ne3A_115 = arith.xori %lt3A_112, %lt3A_114 : i1
    %and3A = arith.andi %ne3A_115, %ne3A_111 : i1
    %add3A_116 = arith.addi %rem3A, %select_n3A : i32
    %select_n3A_117 = arith.select %and3A, %add3A_116, %rem3A : i32
    %eq3A_118 = arith.constant 0 : i32
    %eq3A_119 = arith.cmpi eq, %select_n3A_117, %eq3A_118 : i32
    %convert_element_type3A_120 = arith.extui %eq3A_119 : i1 to i32
    %cond3A = arith.constant 0 : i32
    %cond3A_121 = arith.cmpi ne, %convert_element_type3A_120, %cond3A : i32
    scf.if %cond3A_121 {
      %broadcast_in_dim3A_137 = arith.constant 0.000000e+00 : f32
      %broadcast_in_dim3A_138 = vector.broadcast %broadcast_in_dim3A_137 : f32 to vector<1x1x64xf32>
      %swap3A_139 = arith.constant 0 : index
      %swap3A_140 = arith.constant 0 : index
      %swap3A_141 = arith.constant 0 : index
      %swap3A_142 = vector.load %arg14[%swap3A_139, %swap3A_140, %swap3A_141] : memref<1x1x64xf32, #tpu.memory_space<vmem>>, vector<1x1x64xf32>
      tpu.vector_store %arg14[%swap3A_139, %swap3A_140, %swap3A_141], %broadcast_in_dim3A_138 {strides = array<i32>} : memref<1x1x64xf32, #tpu.memory_space<vmem>>, vector<1x1x64xf32>,
    } else {
    }
    %get3A_122 = arith.constant 0 : index
    %get3A_123 = arith.constant 0 : index
    %get3A_124 = arith.constant 0 : index
    %get3A_125 = vector.load %arg14[%get3A_122, %get3A_123, %get3A_124] : memref<1x1x64xf32, #tpu.memory_space<vmem>>, vector<1x1x64xf32>
    %reduce_sum3A_126 = arith.constant dense<0.000000e+00> : vector<64xf32>
    %reduce_sum3A_127 = vector.multi_reduction <add>, %max3A_107, %reduce_sum3A_126 [0] : vector<16384x64xf32> to vector<64xf32>
    %broadcast_in_dim3A_128 = vector.shape_cast %reduce_sum3A_127 : vector<64xf32> to vector<1x64xf32>
    %broadcast_in_dim3A_129 = vector.shape_cast %broadcast_in_dim3A_128 : vector<1x64xf32> to vector<1x1x64xf32>
    %mul3A_130 = arith.constant 6.10351563E-5 : f32
    %mul3A_131 = vector.broadcast %mul3A_130 : f32 to vector<1x1x64xf32>
    %mul3A_132 = arith.mulf %broadcast_in_dim3A_129, %mul3A_131 : vector<1x1x64xf32>
    %add3A_133 = arith.addf %get3A_125, %mul3A_132 : vector<1x1x64xf32>
    %swap3A = arith.constant 0 : index
    %swap3A_134 = arith.constant 0 : index
    %swap3A_135 = arith.constant 0 : index
    %swap3A_136 = vector.load %arg14[%swap3A, %swap3A_134, %swap3A_135] : memref<1x1x64xf32, #tpu.memory_space<vmem>>, vector<1x1x64xf32>
    tpu.vector_store %arg14[%swap3A, %swap3A_134, %swap3A_135], %add3A_133 {strides = array<i32>} : memref<1x1x64xf32, #tpu.memory_space<vmem>>, vector<1x1x64xf32>,
    return
  }
  func.func @transform_0(%arg0: i32) -> (i32, i32) {
    %c0_i32 = arith.constant 0 : i32
    %c0_i32_0 = arith.constant 0 : i32
    return %arg0, %c0_i32 : i32, i32
  }
  func.func @transform_1(%arg0: i32) -> (i32, i32) {
    %c0_i32 = arith.constant 0 : i32
    %c0_i32_0 = arith.constant 0 : i32
    %c0_i32_1 = arith.constant 0 : i32
    return %c0_i32, %c0_i32_0 : i32, i32
  }
  func.func @transform_2(%arg0: i32) -> (i32, i32) {
    %c0_i32 = arith.constant 0 : i32
    %c0_i32_0 = arith.constant 0 : i32
    %c0_i32_1 = arith.constant 0 : i32
    return %c0_i32, %c0_i32_0 : i32, i32
  }
  func.func @transform_3(%arg0: i32) -> (i32, i32) {
    %c0_i32 = arith.constant 0 : i32
    %c0_i32_0 = arith.constant 0 : i32
    %c0_i32_1 = arith.constant 0 : i32
    return %c0_i32, %c0_i32_0 : i32, i32
  }
  func.func @transform_4(%arg0: i32) -> (i32, i32) {
    %c0_i32 = arith.constant 0 : i32
    %c0_i32_0 = arith.constant 0 : i32
    %c0_i32_1 = arith.constant 0 : i32
    return %c0_i32, %c0_i32_0 : i32, i32
  }
  func.func @transform_5(%arg0: i32) -> (i32, i32) {
    %c0_i32 = arith.constant 0 : i32
    %c0_i32_0 = arith.constant 0 : i32
    %c0_i32_1 = arith.constant 0 : i32
    return %c0_i32, %c0_i32_0 : i32, i32
  }
  func.func @transform_6(%arg0: i32) -> i32 {
    %c0_i32 = arith.constant 0 : i32
    %c0_i32_0 = arith.constant 0 : i32
    return %c0_i32 : i32
  }
  func.func @transform_7(%arg0: i32) -> i32 {
    %c0_i32 = arith.constant 0 : i32
    %c0_i32_0 = arith.constant 0 : i32
    return %c0_i32 : i32
  }
  func.func @transform_8(%arg0: i32) -> i32 {
    %c0_i32 = arith.constant 0 : i32
    %c0_i32_0 = arith.constant 0 : i32
    return %c0_i32 : i32
  }
  func.func @transform_9(%arg0: i32) -> (i32, i32) {
    %c0_i32 = arith.constant 0 : i32
    %c0_i32_0 = arith.constant 0 : i32
    %c0_i32_1 = arith.constant 0 : i32
    return %c0_i32, %c0_i32_0 : i32, i32
  }
  func.func @transform_10(%arg0: i32) -> i32 {
    %c0_i32 = arith.constant 0 : i32
    %c0_i32_0 = arith.constant 0 : i32
    return %c0_i32 : i32
  }
  func.func @transform_11(%arg0: i32) -> i32 {
    %c0_i32 = arith.constant 0 : i32
    %c0_i32_0 = arith.constant 0 : i32
    return %c0_i32 : i32
  }
  func.func @transform_12(%arg0: i32) -> i32 {
    %c0_i32 = arith.constant 0 : i32
    %c0_i32_0 = arith.constant 0 : i32
    return %c0_i32 : i32
  }
  func.func @transform_13(%arg0: i32) -> (i32, i32, i32) {
    %jit3A = arith.constant 1 : i32
    %div3A = arith.divsi %arg0, %jit3A : i32
    %sign3A = arith.constant 0 : i32
    %sign3A_0 = arith.cmpi sgt, %arg0, %sign3A : i32
    %sign3A_1 = arith.extui %sign3A_0 : i1 to i32
    %sign3A_2 = arith.constant 0 : i32
    %sign3A_3 = arith.cmpi slt, %arg0, %sign3A_2 : i32
    %sign3A_4 = arith.extui %sign3A_3 : i1 to i32
    %sign3A_5 = arith.subi %sign3A_1, %sign3A_4 : i32
    %sign3A_6 = arith.constant 0 : i32
    %sign3A_7 = arith.cmpi sgt, %jit3A, %sign3A_6 : i32
    %sign3A_8 = arith.extui %sign3A_7 : i1 to i32
    %sign3A_9 = arith.constant 0 : i32
    %sign3A_10 = arith.cmpi slt, %jit3A, %sign3A_9 : i32
    %sign3A_11 = arith.extui %sign3A_10 : i1 to i32
    %sign3A_12 = arith.subi %sign3A_8, %sign3A_11 : i32
    %ne3A = arith.cmpi ne, %sign3A_5, %sign3A_12 : i32
    %rem3A = arith.remsi %arg0, %jit3A : i32
    %ne3A_13 = arith.constant 0 : i32
    %ne3A_14 = arith.cmpi ne, %rem3A, %ne3A_13 : i32
    %and3A = arith.andi %ne3A, %ne3A_14 : i1
    %sub3A = arith.constant 1 : i32
    %sub3A_15 = arith.subi %div3A, %sub3A : i32
    %select_n3A = arith.select %and3A, %sub3A_15, %div3A : i32
    %c0_i32 = arith.constant 0 : i32
    %c0_i32_16 = arith.constant 0 : i32
    %c0_i32_17 = arith.constant 0 : i32
    return %select_n3A, %c0_i32, %c0_i32_16 : i32, i32, i32
  }
}

</mosaic_0001>

<sc_bundles>
// kernel: kernel.6.cloned.1.call-start
scs
__scs_entry_jumppad:
0x0: {  	(pc) =	sbr.rel $0x88, $3  }
0x1: {  	(tag) =	ssettag $0x0;
	lr =	simm.s32 $0x1  }
0x2: {  	[smem:$0x3F97] =	sst lr;
	_ =	strace $0xD0000000  }
0x3: {  	_ = 	snop  }
0x4: {  	_ = 	snop  }
0x5: {  	_ = 	snop  }
0x6: {  	_ = 	snop  }
0x7: {  	_ = 	snop  }
__scs_overlays_trampoline_lowered:
0x8: {  	[smem:$0x3FA6] =	sst s0  }
0x9: {  	[smem:$0x3FA7] =	sst s1  }
0xa: {  	[smem:$0x3FA8] =	sst s2  }
0xb: {  	[smem:$0x3FA9] =	sst s3  }
0xc: {  	[smem:$0x3FAA] =	sst s4  }
0xd: {  	[smem:$0x3FAB] =	sst s5  }
0xe: {  	[smem:$0x3FAC] =	sst s6  }
0xf: {  	[smem:$0x3FAD] =	sst s7  }
0x10: {  	[smem:$0x3FAE] =	sst s8  }
0x11: {  	[smem:$0x3FAF] =	sst s9;
	s0 =	simm.s32 @!p0 $0x0  }
0x12: {  	s1 =	sld [smem:$0x3F95];
	s0 =	simm.s32 @p0 $0x1  }
0x13: {  	[smem:$0x3FB0] =	sst s0;
	s0 =	simm.s32 @!p1 $0x0  }
0x14: {  	s2 =	sld [smem:$0x3F94];
	s0 =	simm.s32 @p1 $0x1  }
0x15: {  	[smem:$0x3FB1] =	sst s0;
	s0 =	simm.s32 @!p2 $0x0  }
0x16: {  	s3 =	sld [smem:$0x3FDB];
	s0 =	simm.s32 @p2 $0x1  }
0x17: {  	s4 =	simm.s32 $0x1BF5;
	[smem:$0x3FB3] =	sst s0  }
0x18: {  	s0 =	sld [smem:$0x3F96];
	_ =	swait.ge [sflag:s4], $0x0  }
0x19: {  	s7 =	sld [smem:$0x3F97]  }
0x1a: {  	s8 =	sadd.s32 $0xFFFFE003, lr  }
0x1b: {  	s9 =	sadd.s32 $0xFFFFFEF7, lr;
	s5 =	simm.s32 $0xFFFFFFFF;
	p2 =	slt.u32 s8, $0xFFFFF086  }
0x1c: {  	p1 =	slt.u32 s9, $0xF7A;
	s5 =	simm.s32 @!p2 $0x0  }
0x1d: {  	s5 =	simm.s32 @p1 $0x1;
	p0 =	seq.s32 s7, s2  }
0x1e: {  	s7 =	smul.u32 @!p0 $0xF7A, s2;
	p2 =	seq.s32 @!p0 s5, $0x0  }
0x1f: {  	s9 =	smul.u32 $0xF7A, s1;
	s8 =	simm.s32 @!p0 $0x1BF5;
	p2 =	por !p2, p0  }
0x20: {  	[sflag:s8] =	ssyncset.s32 @!p0 $0xFFFFF086;
	s6 =	sadd.s32 @!p0 s3, s7;
	s7 =	simm.s32 @!p0 $0x108  }
0x21: {  	s3 =	sadd.s32 s3, s9;
	s6 =	sadd.s32 @!p0 $0x88, s6;
	s7 =	simm.s32 @p2 $0x1082  }
0x22: {  	[simem:s7], [sflag:s8] =	dma.local @!p0 [hbm:s6], $0xF7A  }
0x23: {  	s9 =	sor.u32 $0xD0000000, s2;
	s6 =	simm.s32 $0x108;
	_ =	swait.ge @!p0 [sflag:s8], $0x0  }
0x24: {  	s3 =	sadd.s32 $0x88, s3;
	s6 =	simm.s32 @!p1 $0x1082;
	[sflag:s4] =	ssyncset.s32 $0xFFFFF086  }
0x25: {  	[simem:s6], [sflag:s4] =	dma.local [hbm:s3], $0xF7A  }
0x26: {  	[smem:$0x3F97] =	sst s1;
	(tag) =	ssettag s2;
	_ =	strace s9  }
0x27: {  	s1 =	sld [smem:$0x3FA7]  }
0x28: {  	s2 =	sld [smem:$0x3FA8]  }
0x29: {  	s4 =	sld [smem:$0x3FAA]  }
0x2a: {  	p0 =	seq.s32 s5, $0x0;
	s5 =	sld [smem:$0x3FAB]  }
0x2b: {  	s6 =	sld [smem:$0x3FAC]  }
0x2c: {  	s7 =	sld [smem:$0x3FAD]  }
0x2d: {  	s3 =	simm.s32 $0x108;
	s8 =	sld [smem:$0x3FAE]  }
0x2e: {  	s3 =	simm.s32 @!p0 $0x1082;
	s9 =	sld [smem:$0x3FAF]  }
0x2f: {  	lr =	sadd.s32 s0, s3;
	s0 =	sld [smem:$0x3FA6]  }
0x30: {  	s3 =	sld [smem:$0x3FA9]  }
0x31: {  	[smem:$0x3FB2] =	sst s10  }
0x32: {  	s10 =	sld [smem:$0x3FB0];
	_ =	sdelay $0x3  }
0x33: {  	p0 =	seq.s32 s10, $0x1;
	s10 =	sld [smem:$0x3FB2];
	_ =	sdelay $0x3  }
0x34: {  	[smem:$0x3FB2] =	sst s10  }
0x35: {  	s10 =	sld [smem:$0x3FB1];
	_ =	sdelay $0x3  }
0x36: {  	p1 =	seq.s32 s10, $0x1;
	s10 =	sld [smem:$0x3FB2];
	_ =	sdelay $0x3  }
0x37: {  	[smem:$0x3FB2] =	sst s10  }
0x38: {  	s10 =	sld [smem:$0x3FB3]  }
0x39: {  	_ = 	snop;
	(pc) =	sbr.ind lr, $3  }
0x3a: {  	_ = 	snop  }
0x3b: {  	_ = 	snop  }
0x3c: {  	p2 =	seq.s32 s10, $0x1;
	s10 =	sld [smem:$0x3FB2]  }
0x3d: {  	_ =	shalt  }
0x3e: {  	_ =	shalt  }
0x3f: {  	_ =	shalt  }
0x40: {  	_ =	shalt  }
0x41: {  	_ =	shalt  }
0x42: {  	_ =	shalt  }
0x43: {  	_ =	shalt  }
0x44: {  	_ =	shalt  }
0x45: {  	_ =	shalt  }
0x46: {  	_ =	shalt  }
0x47: {  	_ =	shalt  }
0x48: {  	_ =	shalt  }
0x49: {  	_ =	shalt  }
0x4a: {  	_ =	shalt  }
0x4b: {  	_ =	shalt  }
0x4c: {  	_ =	shalt  }
0x4d: {  	_ =	shalt  }
0x4e: {  	_ =	shalt  }
0x4f: {  	_ =	shalt  }
0x50: {  	_ =	shalt  }
0x51: {  	_ =	shalt  }
0x52: {  	_ =	shalt  }
0x53: {  	_ =	shalt  }
0x54: {  	_ =	shalt  }
0x55: {  	_ =	shalt  }
0x56: {  	_ =	shalt  }
0x57: {  	_ =	shalt  }
0x58: {  	_ =	shalt  }
0x59: {  	_ =	shalt  }
0x5a: {  	_ =	shalt  }
0x5b: {  	_ =	shalt  }
0x5c: {  	_ =	shalt  }
0x5d: {  	_ =	shalt  }
0x5e: {  	_ =	shalt  }
0x5f: {  	_ =	shalt  }
0x60: {  	_ =	shalt  }
0x61: {  	_ =	shalt  }
0x62: {  	_ =	shalt  }
0x63: {  	_ =	shalt  }
0x64: {  	_ =	shalt  }
0x65: {  	_ =	shalt  }
0x66: {  	_ =	shalt  }
0x67: {  	_ =	shalt  }
0x68: {  	_ =	shalt  }
0x69: {  	_ =	shalt  }
0x6a: {  	_ =	shalt  }
0x6b: {  	_ =	shalt  }
0x6c: {  	_ =	shalt  }
0x6d: {  	_ =	shalt  }
0x6e: {  	_ =	shalt  }
0x6f: {  	_ =	shalt  }
0x70: {  	_ =	shalt  }
0x71: {  	_ =	shalt  }
0x72: {  	_ =	shalt  }
0x73: {  	_ =	shalt  }
0x74: {  	_ =	shalt  }
0x75: {  	_ =	shalt  }
0x76: {  	_ =	shalt  }
0x77: {  	_ =	shalt  }
0x78: {  	_ =	shalt  }
0x79: {  	_ =	shalt  }
0x7a: {  	_ =	shalt  }
0x7b: {  	_ =	shalt  }
0x7c: {  	_ =	shalt  }
0x7d: {  	_ =	shalt  }
0x7e: {  	_ =	shalt  }
0x7f: {  	_ =	shalt  }
0x80: {  	_ =	shalt  }
0x81: {  	_ =	shalt  }
0x82: {  	_ =	shalt  }
0x83: {  	_ =	shalt  }
0x84: {  	_ =	shalt  }
0x85: {  	_ =	shalt  }
0x86: {  	_ =	shalt  }
0x87: {  	_ =	shalt  }
.Lfunc_end0:
.L_simem_size_0:
called_computation_lowered:
.L_overlay_start_0:
0x88: {  	s2 =	sld [smem:$0x3FD9]  }
0x89: {  	s3 =	sld [smem:$0x3FFE];
	_ =	sdelay $0x1  }
0x8a: {  	s1 =	srdreg.scid  }
0x8b: {  	s0 =	sand.u32 $0x1, s1  }
0x8c: {  	s16 =	sshll.u32 s0, $0xA;
	s2 =	sadd.s32 s3, s2  }
0x8d: {  	s2 =	sadd.s32 s2, s16  }
0x8e: {  	[smem:$0x3FBE] =	sst s2  }
0x8f: {  	_ = 	snop  }
0x90: {  	(tm) =	ssettm $0x1  }
0x91: {  	s17 =	sld [smem:$0x3FFB];
	_ =	sdelay $0x3  }
0x92: {  	_ =	strace s17  }
0x93: {  	s2 =	sld [smem:$0x3FFC];
	_ =	sdelay $0x3  }
0x94: {  	_ =	strace s2  }
0x95: {  	s2 =	sld [smem:$0x3FFD];
	_ =	sdelay $0x3  }
0x96: {  	_ =	strace s2  }
0x97: {  	_ =	strace $0x8FFFFFFF  }
0x98: {  	s18 =	sld [smem:$0x3FDB];
	_ =	sdelay $0x1  }
0x99: {  	s19 =	simm.s32 $_scs_section_size  }
0x9a: {  	s4 =	simm.s32 $_size__tile_overlayer_lowered;
	s5 =	simm.s32 $_tile_overlayer_lowered  }
0x9b: {  	s22 =	simm.s32 $0x1BFF;
	s21 =	sshll.u32 s5, $0x1;
	s2 =	sadd.s32 s19, s18  }
0x9c: {  	s6 =	simm.s32 $0x0;
	s20 =	sshll.u32 s4, $0x1;
	s4 =	sadd.s32 s21, s2  }
0x9d: {  	[timem:s6], [sflag:s22] =	dma.local [hbm:s4], s20  }
0x9e: {  	_ =	swait.ge [sflag:s22], s20  }
0x9f: {  	s3 =	ssub.s32 $0x0, s20;
	[sflag:s22] =	ssyncset.done $0x0  }
0xa0: {  	[sflag:s22] =	ssyncadd.s32 s3;
	_ =	sdelay $0x1  }
0xa1: {  	s23 =	simm.s32 $0x1B8B  }
0xa2: {  	_ =	swait.ge [sflag:s23], $0x1  }
0xa3: {  	[sflag:s23] =	ssyncset.done $0x0  }
0xa4: {  	s25 =	simm.s32 $0x1B8E;
	s24 =	sld [smem:$0x3FFE];
	[sflag:s23] =	ssyncadd.s32 $0xFFFFFFFF  }
0xa5: {  	s26 =	simm.s32 $execute0_lowered;
	[smem:$0x3FD2] =	sst s25  }
0xa6: {  	s4 =	sshll.u32 s26, $0x1;
	_ =	strace $0x80000046;
	[dreg:$0x1] =	wrdreg $0xFFFFFFFF  }
0xa7: {  	s28 =	simm.s32 $_size_execute0_lowered;
	s2 =	sadd.s32 s2, s4;
	[dreg:$0x0] =	wrdreg $0x0  }
0xa8: {  	s4 =	sshll.u32 s28, $0x1;
	[dreg:$0x2] =	wrdreg s2  }
0xa9: {  	[dreg:$0x3] =	wrdreg s4  }
0xaa: {  	[dreg:$0x4] =	wrdreg $0xC0  }
0xab: {  	_ =	task [dreg:s6], $0x5FFFF  }
0xac: {  	[dreg:$0x1] =	wrdreg $0xFFFFFFFF  }
0xad: {  	[dreg:$0x0] =	wrdreg $0x60  }
0xae: {  	[dreg:$0x2] =	wrdreg s24  }
0xaf: {  	[dreg:$0x3] =	wrdreg $0x61800  }
0xb0: {  	[dreg:$0x4] =	wrdreg $0x9  }
0xb1: {  	_ =	task.clear_ibuf [dreg:s6], $0x5FFFF;
	_ =	strace $0x90000046  }
0xb2: {  	s29 =	simm.s32 $0x9;
	_ =	strace $0x80000048  }
0xb3: {  	_ =	swait.ge [sflag:s29], $0x1  }
0xb4: {  	[sflag:s29] =	ssyncadd.s32 $0xFFFFFFFF  }
0xb5: {  	_ =	strace $0x90000048  }
0xb6: {  	_ =	sfence  }
0xb7: {  	s30 =	sld [smem:$0x0];
	_ =	sdelay $0x2  }
0xb8: {  	s31 =	sshll.u32 s1, $0xD;
	s1 =	sshrl.u32 s1, $0x2  }
0xb9: {  	s3 =	sand.u32 $0x4000, s31;
	s1 =	sadd.s32 s1, s30  }
0xba: {  	s0 =	sor.u32 s3, s0;
	s1 =	sshll.u32 s1, $0x11  }
0xbb: {  	s0 =	sor.u32 s1, s0  }
0xbc: {  	s0 =	sadd.s32 $0x8F2B, s0  }
0xbd: {  	[sflag:s0] =	ssyncadd.remote.s32 $0x1  }
0xbe: {  	_ =	sfence.sel $0xFFFF  }
0xbf: {  	[dreg:$0x0] =	wrdreg $0xFFFFFFFF;
	(pc) =	sbr.abs _section_cstart, $3  }
0xc0: {  	[dreg:$0x1] =	wrdreg $0xFFFFFFFF  }
0xc1: {  	_ =	task.clear_ibuf [dreg:s6], $0x2FFFF;
	_ =	strace $0x9FFFFFFF  }
0xc2: {  	(tm) =	ssettm $0x7FFFFFFF  }
0xc3: {  	_ =	shalt  }
tec
execute0_lowered:
.L_overlay_start_1:
0x0: {  	(tag) =	ssettag $0x1  }
0x1: {  	s1 =	srdreg.scid  }
0x2: {  	s0 =	stileid.u32;
	s5 =	rddreg [dreg:$0x0]  }
0x3: {  	s7 =	rddreg [dreg:$0x1];
	s2 =	simm.s32 $0x0;
	s12 =	simm.s32 $0x1000  }
0x4: {  	s13 =	simm.s32 $0x1;
	s14 =	simm.s32 $0x2000;
	s15 =	simm.s32 $0x4000  }
0x5: {  	s16 =	simm.s32 $0x4080;
	s3 =	sand.u32 $0x1, s1;
	s4 =	sshrl.u32 s0, $0x2  }
0x6: {  	s17 =	sand.u32 $0x3, s0;
	[smem:$0x7FF] =	sst s2;
	s1 =	sshll.u32 s3, $0x2  }
0x7: {  	s9 =	sshll.u32 s17, $0xC;
	s3 =	ssub.s32 $0x2, s3;
	s31 =	sshll.u32 s17, $0x6  }
0x8: {  	p0 =	seq.s32 s17, $0x0;
	p1 =	sne.s32 s17, $0x0;
	s6 =	sor.u32 s4, s1  }
0x9: {  	s17 =	simm.s32 $0x0;
	s1 =	rddreg [dreg:$0x2];
	s8 =	smul.u32 $0xC000, s6  }
0xa: {  	_ =	strace $0x80000047;
	s30 =	sshrl.u32 s3, $0x1;
	s4 =	sshll.u32 s4, $0x8  }
0xb: {  	s6 =	sshll.u32 s6, $0xA;
	s11 =	ssub.s32 s3, s30;
	s8 =	sor.u32 s9, s8  }
0xc: {  	s4 =	sadd.s32 s4, s7;
	s10 =	sadd.s32 s6, s5;
	s8 =	sshrl.u32 s8, $0x3  }
0xd: {  	v0 =	vimm.f32 $3.000000010e+38;
	v1 =	vimm.f32 $1.000000000e+10;
	s7 =	sadd.s32 s31, s4;
	s11 =	smax.u32 s11, $0x1;
	s8 =	sadd.s32 s8, s5  }
0xe: {  	vm0 =	vmmov $0x1;
	vm1 =	vcmask $0x310;
	vm2 =	vcmask $0x30C;
	s9 =	sadd.s32 $0x400, s4;
	s10 =	sadd.s32 $0xD800, s10;
	s3 =	sadd.s32 $0x1800, s8  }
0xf: {  	vm3 =	vcmask $0x308;
	v2 =	vlaneseq.u32;
	v0 =	vpsel !p0, $0xFF61B1E6, v0;
	s5 =	sadd.s32 $0x2000, s8;
	s6 =	sadd.s32 $0x2800, s8;
	s8 =	sadd.s32 $0x400, s7  }
.LBB2_1:
0x10: {  	[tilespmem:s2], [sflag:$0x1] =	stream.linear.gather [hbm4b:s3+s2], $0x1000, $0x38;
	[tilespmem:$0x6200] =	vst v63  }
0x11: {  	_ =	swait.ge [sflag:s13], $0x1000  }
0x12: {  	[sflag:s13] =	ssyncset.done $0x0  }
0x13: {  	[sflag:s13] =	ssyncadd.s32 $0xFFFFF000  }
0x14: {  	[tilespmem:s12], [sflag:$0x1] =	stream.linear.gather [hbm4b:s5+s2], $0x1000, $0x38;
	[tilespmem:$0x6200] =	vst v63  }
0x15: {  	_ =	swait.ge [sflag:s13], $0x1000  }
0x16: {  	[sflag:s13] =	ssyncset.done $0x0  }
0x17: {  	[sflag:s13] =	ssyncadd.s32 $0xFFFFF000  }
0x18: {  	[tilespmem:s14], [sflag:$0x1] =	stream.linear.gather [hbm4b:s6+s2], $0x1000, $0x38;
	[tilespmem:$0x6200] =	vst v63  }
0x19: {  	_ =	swait.ge [sflag:s13], $0x1000  }
0x1a: {  	[sflag:s13] =	ssyncset.done $0x0  }
0x1b: {  	s18 =	simm.s32 $0x40;
	s19 =	simm.s32 $0x0;
	[sflag:s13] =	ssyncadd.s32 $0xFFFFF000  }
.LBB2_2:
0x1c: {  	p2 =	sne.s32 s18, $0x3FC0;
	[tilespmem:s19+$0x3000] =	vst v1;
	s19 =	smov.u32 s18;
	s18 =	sadd.s32 $0x40, s18  }
.Ltmp0:
0x1d: {  	(pc) =	sbr.rel @p2 .LBB2_2-.Ltmp0, $2  }
0x1e: {  	_ =	sdelay $0x2  }
0x1f: {  	s19 =	sshra.s32 s19, $0x2  }
0x20: {  	[tilespmem:s19+$0x3000] =	vst v1  }
0x21: {  	v3 =	vld [tilespmem:$0x0]  }
0x22: {  	v4 =	vld [tilespmem:$0x1000]  }
0x23: {  	v5 =	vld [tilespmem:$0x2000];
	_ =	sdelay $0x2  }
0x24: {  	v3 =	vnsel vm0, $0xFF61B1E6, v3  }
0x25: {  	(xrf0) =	vmax.scan.msk.f32 $0xffff, v3;
	v3 =	vnsel vm0, $0xFF61B1E6, v4  }
0x26: {  	(xrf0) =	vmax.scan.msk.f32 $0xffff, v3;
	v3 =	vnsel vm0, $0xFF61B1E6, v5  }
0x27: {  	(xrf0) =	vmax.scan.msk.f32 $0xffff, v3;
	_ =	sdelay $0x3  }
0x28: {  	v3, _, _ =	vpop (xrf0)  }
0x29: {  	v61, _, _ =	vpop (xrf0);
	v3 =	vbroadcast v3, $0xF  }
0x2a: {  	v4 =	vbroadcast v61, $0xF;
	v62, _, _ =	vpop (xrf0)  }
0x2b: {  	[tilespmem:$0x4000] =	vst v0;
	v3 =	vpsel !p0, $0x0, v3;
	v63 =	vbroadcast v62, $0xF  }
0x2c: {  	[tilespmem:$0x4010] =	vst v3;
	v3 =	vpsel !p0, $0x0, v4  }
0x2d: {  	[tilespmem:$0x4020] =	vst v3;
	v3 =	vpsel !p0, $0x0, v63  }
0x2e: {  	[tilespmem:$0x4030] =	vst v3  }
0x2f: {  	[spmem:s7] =	stream.linear.scatter [tilespmem:s15], [sflag:$0x1], $0x40, $0x38;
	[tilespmem:$0x6200] =	vst v63  }
0x30: {  	_ =	swait.ge [sflag:s13], $0x40  }
0x31: {  	[sflag:s13] =	ssyncset.done $0x0  }
0x32: {  	[sflag:s13] =	ssyncadd.s32 $0xFFFFFFC0  }
0x33: {  	s18 =	simm.s32 $0x0;
	s19 =	simm.s32 $0x0;
	[bflag:$0x0] =	sbarrier.arrive $0xFFFF  }
.LBB2_4:
0x34: {  	[tilespmem:s16], [sflag:$0x1] =	stream.linear.gather [spmem:s4], $0x100, $0x38;
	[tilespmem:$0x6200] =	vst v63  }
0x35: {  	_ =	swait.ge [sflag:s13], $0x100  }
0x36: {  	[sflag:s13] =	ssyncset.done $0x0  }
0x37: {  	[sflag:s13] =	ssyncadd.s32 $0xFFFFFF00  }
0x38: {  	v3 =	vld [tilespmem:$0x4080]  }
0x39: {  	v4 =	vld [tilespmem:$0x4090]  }
0x3a: {  	v5 =	vld [tilespmem:$0x40A0]  }
0x3b: {  	v6 =	vld [tilespmem:$0x40B0]  }
0x3c: {  	v7 =	vld [tilespmem:$0x40C0]  }
0x3d: {  	v8 =	vld [tilespmem:$0x40D0]  }
0x3e: {  	v9 =	vld [tilespmem:$0x40E0]  }
0x3f: {  	v10 =	vld [tilespmem:$0x40F0]  }
0x40: {  	v11 =	vld [tilespmem:$0x4100]  }
0x41: {  	v12 =	vld [tilespmem:$0x4110]  }
0x42: {  	v13 =	vld [tilespmem:$0x4120]  }
0x43: {  	v14 =	vld [tilespmem:$0x4130]  }
0x44: {  	v15 =	vld [tilespmem:$0x4140]  }
0x45: {  	v16 =	vld [tilespmem:$0x4170];
	vm4 =	vgt.f32 v7, v3  }
0x46: {  	v3 =	vsel vm4, v7, v3;
	v7 =	vld [tilespmem:$0x4160]  }
0x47: {  	v17 =	vld [tilespmem:$0x4150];
	vm5 =	vgt.f32 v11, v3  }
0x48: {  	v4 =	vsel vm4, v8, v4;
	v6 =	vsel vm4, v10, v6;
	v3 =	vsel vm5, v11, v3  }
0x49: {  	v5 =	vsel vm4, v9, v5;
	v6 =	vsel vm5, v14, v6;
	vm4 =	vgt.f32 v15, v3  }
0x4a: {  	v8 =	vsel vm5, v13, v5;
	v9 =	vsel vm4, v15, v3;
	v5 =	vsel vm4, v16, v6  }
0x4b: {  	v4 =	vsel vm5, v12, v4;
	v3 =	vsel vm4, v7, v8;
	v6 =	vsel vm1, v9, v5  }
0x4c: {  	s20 =	sshll.u32 s19, $0x5;
	v4 =	vsel vm4, v17, v4;
	v6 =	vsel vm2, v6, v3  }
0x4d: {  	s20 =	sand.u32 $0x3FFFFFE0, s20;
	v6 =	vsel vm3, v6, v4  }
0x4e: {  	s21 =	simm.s32 $0x2040;
	[tilespmem:s20+$0x4180] =	vst v6  }
0x4f: {  	v6 =	vld [tilespmem:s21+$0x30]  }
0x50: {  	s22 =	simm.s32 $0x40;
	v7 =	vld [tilespmem:s21+$0x20]  }
0x51: {  	s23 =	simm.s32 $0x1040;
	v8 =	vld [tilespmem:s22+$0x30]  }
0x52: {  	v9 =	vld [tilespmem:s23+$0x30]  }
0x53: {  	v10 =	vld [tilespmem:s21+$0x10]  }
0x54: {  	v11 =	vld [tilespmem:s22+$0x20]  }
0x55: {  	v12 =	vld [tilespmem:s23+$0x20]  }
0x56: {  	v13 =	vld [tilespmem:s21+$0x0]  }
0x57: {  	v14 =	vld [tilespmem:s22+$0x10]  }
0x58: {  	v15 =	vld [tilespmem:s23+$0x10]  }
0x59: {  	v16 =	vld [tilespmem:s21+$0xFFFFFFF0]  }
0x5a: {  	v17 =	vld [tilespmem:s22+$0x0]  }
0x5b: {  	v19 =	vimm.f32 $-3.000000010e+38;
	v18 =	vld [tilespmem:s23+$0x0];
	v7 =	vsub.f32 v7, v5;
	v6 =	vsub.f32 v6, v5  }
0x5c: {  	v21 =	vimm.s32 $0x0;
	v20 =	vld [tilespmem:s21+$0xFFFFFFE0];
	v8 =	vsub.f32 v8, v4;
	v10 =	vsub.f32 v10, v5  }
0x5d: {  	v23 =	vor.u32 s18, v2;
	s24 =	simm.s32 $0x40;
	v22 =	vld [tilespmem:s22+$0xFFFFFFF0];
	v9 =	vsub.f32 v9, v3;
	v11 =	vsub.f32 v11, v4  }
0x5e: {  	s25 =	simm.s32 $0x30;
	v26 =	vor.u32 s24, v2;
	v25 =	vld [tilespmem:s22+$0xFFFFFFE0];
	v12 =	vsub.f32 v12, v3;
	v13 =	vsub.f32 v13, v5  }
0x5f: {  	s24 =	simm.s32 $0x20;
	v28 =	vor.u32 s25, v2;
	v29 =	vld [tilespmem:s22+$0xFFFFFFC0];
	v14 =	vsub.f32 v14, v4;
	v16 =	vsub.f32 v16, v5  }
0x60: {  	s25 =	simm.s32 $0x10;
	v30 =	vor.u32 s24, v2;
	v31 =	vld [tilespmem:s23+$0xFFFFFFC0];
	v15 =	vsub.f32 v15, v3;
	v17 =	vsub.f32 v17, v4  }
0x61: {  	v32 =	vor.u32 s25, v2;
	v27 =	vld [tilespmem:s21+$0xFFFFFFC0];
	v18 =	vsub.f32 v18, v3;
	v20 =	vsub.f32 v20, v5  }
0x62: {  	v34 =	vld [tilespmem:s23+$0xFFFFFFD0];
	v22 =	vsub.f32 v22, v4;
	v7 =	vmul.f32 v7, v7;
	v6 =	vmul.f32 v6, v6  }
0x63: {  	v35 =	vld [tilespmem:s23+$0xFFFFFFE0];
	v25 =	vsub.f32 v25, v4;
	v8 =	vmul.f32 v8, v8;
	v9 =	vmul.f32 v9, v9  }
0x64: {  	v36 =	vld [tilespmem:s23+$0xFFFFFFF0];
	v29 =	vsub.f32 v29, v4;
	v10 =	vmul.f32 v10, v10;
	v11 =	vmul.f32 v11, v11  }
0x65: {  	v33 =	vld [tilespmem:s22+$0xFFFFFFD0];
	v31 =	vsub.f32 v31, v3;
	v13 =	vmul.f32 v13, v13;
	v12 =	vmul.f32 v12, v12  }
0x66: {  	v24 =	vld [tilespmem:s21+$0xFFFFFFD0];
	v27 =	vsub.f32 v27, v5;
	v14 =	vmul.f32 v14, v14;
	v15 =	vmul.f32 v15, v15  }
0x67: {  	s25 =	simm.s32 $0xC0;
	v34 =	vsub.f32 v34, v3;
	v29 =	vmul.f32 v29, v29;
	v31 =	vmul.f32 v31, v31  }
0x68: {  	s24 =	simm.s32 $0x20C0;
	v59 =	vld [tilespmem:s25+$0x10];
	v35 =	vsub.f32 v35, v3;
	v17 =	vmul.f32 v17, v17;
	v27 =	vmul.f32 v27, v27  }
0x69: {  	v61 =	vld [tilespmem:s24+$0xFFFFFFF0];
	v36 =	vsub.f32 v36, v3;
	v53 =	vmul.f32 v34, v34;
	v25 =	vmul.f32 v25, v25  }
0x6a: {  	s21 =	simm.s32 $0x3040;
	v62 =	vld [tilespmem:s25+$0x0];
	v33 =	vsub.f32 v33, v4;
	v35 =	vmul.f32 v35, v35;
	v22 =	vmul.f32 v22, v22  }
0x6b: {  	v37 =	vld [tilespmem:s21+$0xFFFFFFC0];
	v24 =	vsub.f32 v24, v5;
	v56 =	vmul.f32 v36, v36;
	v18 =	vmul.f32 v18, v18  }
0x6c: {  	v54 =	vld [tilespmem:s21+$0x30];
	v29 =	vadd.f32 v31, v29;
	v31 =	vmul.f32 v33, v33;
	v25 =	vadd.f32 v35, v25  }
0x6d: {  	v38 =	vld [tilespmem:s21+$0xFFFFFFD0];
	v16 =	vmul.f32 v16, v16;
	v22 =	vadd.f32 v56, v22;
	v17 =	vadd.f32 v18, v17  }
0x6e: {  	v55 =	vld [tilespmem:s21+$0xFFFFFFE0];
	v24 =	vmul.f32 v24, v24;
	v27 =	vadd.f32 v27, v29;
	v29 =	vadd.f32 v53, v31  }
0x6f: {  	s23 =	simm.s32 $0x10C0;
	v57 =	vld [tilespmem:s21+$0x0];
	v20 =	vmul.f32 v20, v20;
	v14 =	vadd.f32 v15, v14;
	v11 =	vadd.f32 v12, v11  }
0x70: {  	v63 =	vld [tilespmem:s23+$0x0];
	v8 =	vadd.f32 v9, v8;
	v27 =	vmin.f32 v37, v27;
	v24 =	vadd.f32 v24, v29  }
0x71: {  	v20 =	vadd.f32 v20, v25;
	v25 =	vld [tilespmem:s21+$0xFFFFFFF0];
	v16 =	vadd.f32 v16, v22;
	vm4 =	vgt.f32 v27, v19  }
0x72: {  	v18 =	vld [tilespmem:s24+$0x20];
	v13 =	vadd.f32 v13, v17;
	v19 =	vsel vm4, v27, v19;
	v24 =	vmin.f32 v38, v24  }
0x73: {  	v31 =	vld [tilespmem:s21+$0x20];
	v10 =	vadd.f32 v10, v14;
	v21 =	vsel vm4, v23, v21;
	vm4 =	vgt.f32 v24, v19  }
0x74: {  	v6 =	vadd.f32 v6, v8;
	v29 =	vld [tilespmem:s21+$0x10];
	v22 =	vmin.f32 v55, v20;
	v19 =	vsel vm4, v24, v19  }
0x75: {  	v7 =	vadd.f32 v7, v11;
	v20 =	vsel vm4, v32, v21;
	v21 =	vld [tilespmem:s25+$0x30];
	vm4 =	vgt.f32 v22, v19  }
0x76: {  	v34 =	vmin.f32 v54, v6;
	v16 =	vmin.f32 v25, v16;
	v25 =	vld [tilespmem:s24+$0x10];
	v17 =	vsel vm4, v22, v19  }
0x77: {  	v58 =	vld [tilespmem:s24+$0x0];
	[tilespmem:s21+$0xFFFFFFC0] =	vst v27;
	v27 =	vsub.f32 v62, v4;
	v19 =	vsel vm4, v30, v20;
	vm4 =	vgt.f32 v16, v17  }
0x78: {  	v60 =	vld [tilespmem:s23+$0x10];
	v31 =	vmin.f32 v31, v7;
	[tilespmem:s21+$0xFFFFFFD0] =	vst v24;
	v24 =	vsub.f32 v59, v4;
	v14 =	vsel vm4, v16, v17  }
0x79: {  	v39 =	vld [tilespmem:s25+$0xFFFFFFF0];
	v17 =	vmin.f32 v57, v13;
	v13 =	vsel vm4, v28, v19;
	v19 =	vsub.f32 v18, v5  }
0x7a: {  	v23 =	vld [tilespmem:s24+$0x30];
	[tilespmem:s21+$0xFFFFFFF0] =	vst v16;
	v10 =	vmin.f32 v29, v10;
	v16 =	vsub.f32 v63, v3;
	v20 =	vsub.f32 v21, v4  }
0x7b: {  	s26 =	simm.s32 $0x50;
	v12 =	vld [tilespmem:s25+$0x20];
	vm4 =	vgt.f32 v17, v14;
	v21 =	vsub.f32 v25, v5;
	v25 =	vsub.f32 v61, v5  }
0x7c: {  	v15 =	vld [tilespmem:s23+$0x30];
	v9 =	vsel vm4, v17, v14;
	v11 =	vsel vm4, v26, v13;
	v13 =	vor.u32 s26, v2  }
0x7d: {  	v30 =	vld [tilespmem:s23+$0x20];
	[tilespmem:s21+$0x0] =	vst v17;
	s26 =	simm.s32 $0x70;
	v26 =	vsub.f32 v58, v5;
	v17 =	vsub.f32 v60, v3;
	vm4 =	vgt.f32 v10, v9  }
0x7e: {  	s28 =	simm.s32 $0x60;
	v18 =	vld [tilespmem:s24+$0xFFFFFFE0];
	v14 =	vor.u32 s26, v2;
	v8 =	vsel vm4, v10, v9;
	v7 =	vsel vm4, v13, v11  }
0x7f: {  	s30 =	simm.s32 $0xA0;
	v9 =	vor.u32 s28, v2;
	v13 =	vsub.f32 v23, v5;
	vm4 =	vgt.f32 v31, v8  }
0x80: {  	s31 =	simm.s32 $0x90;
	[tilespmem:s21+$0x10] =	vst v10;
	v28 =	vld [tilespmem:s24+$0xFFFFFFD0];
	v23 =	vsub.f32 v12, v4;
	v10 =	vor.u32 s30, v2;
	v8 =	vsel vm4, v31, v8  }
0x81: {  	v29 =	vld [tilespmem:s25+$0xFFFFFFE0];
	v12 =	vor.u32 s31, v2;
	v6 =	vsel vm4, v9, v7;
	vm4 =	vgt.f32 v34, v8  }
0x82: {  	s22 =	simm.s32 $0x80;
	[tilespmem:s21+$0xFFFFFFE0] =	vst v22;
	v7 =	vsel vm4, v14, v6;
	v14 =	vsub.f32 v15, v3;
	v15 =	vsub.f32 v30, v3;
	v30 =	vld [tilespmem:s24+$0xFFFFFFC0]  }
0x83: {  	s29 =	simm.s32 $0xC0;
	[tilespmem:s21+$0x20] =	vst v31;
	s28 =	simm.s32 $0xB0;
	v22 =	vsub.f32 v18, v5;
	v18 =	vsub.f32 v39, v4;
	v9 =	vor.u32 s22, v2;
	v31 =	vld [tilespmem:s25+$0xFFFFFFC0]  }
0x84: {  	[tilespmem:s21+$0x30] =	vst v34;
	v32 =	vld [tilespmem:s23+$0xFFFFFFC0];
	s26 =	simm.s32 $0x100;
	v11 =	vsel vm4, v34, v8;
	v6 =	vor.u32 s29, v2;
	v8 =	vor.u32 s28, v2  }
.LBB2_5:
0x85: {  	p2 =	slt.u32 s26, $0xF80;
	v33 =	vld [tilespmem:s25+$0xFFFFFFD0];
	v28 =	vsub.f32 v28, v5;
	v19 =	vmul.f32 v19, v19;
	v13 =	vmul.f32 v13, v13  }
0x86: {  	v20 =	vmul.f32 v20, v20;
	v14 =	vmul.f32 v14, v14;
	v34 =	vld [tilespmem:s23+$0xFFFFFFD0];
	v29 =	vsub.f32 v29, v4  }
0x87: {  	v21 =	vmul.f32 v21, v21;
	v23 =	vmul.f32 v23, v23;
	v30 =	vsub.f32 v30, v5;
	v35 =	vld [tilespmem:s23+$0xFFFFFFE0]  }
0x88: {  	v26 =	vmul.f32 v26, v26;
	v15 =	vmul.f32 v15, v15;
	v31 =	vsub.f32 v31, v4  }
0x89: {  	v24 =	vmul.f32 v24, v24;
	v17 =	vmul.f32 v17, v17;
	v32 =	vsub.f32 v32, v3;
	v36 =	vld [tilespmem:s23+$0xFFFFFFF0]  }
0x8a: {  	v25 =	vmul.f32 v25, v25;
	v27 =	vmul.f32 v27, v27;
	v33 =	vsub.f32 v33, v4  }
0x8b: {  	s21 =	sadd.s32 $0x80, s21;
	v31 =	vmul.f32 v31, v31;
	v32 =	vmul.f32 v32, v32;
	v34 =	vsub.f32 v34, v3  }
0x8c: {  	v22 =	vmul.f32 v22, v22;
	v30 =	vmul.f32 v30, v30;
	v37 =	vld [tilespmem:s21+$0xFFFFFFC0];
	v35 =	vsub.f32 v35, v3  }
0x8d: {  	v31 =	vadd.f32 v32, v31;
	v32 =	vmul.f32 v33, v33;
	v33 =	vmul.f32 v34, v34;
	v34 =	vld [tilespmem:s21+$0x30]  }
0x8e: {  	v29 =	vmul.f32 v29, v29;
	v38 =	vld [tilespmem:s21+$0xFFFFFFD0];
	v35 =	vmul.f32 v35, v35;
	v36 =	vsub.f32 v36, v3  }
0x8f: {  	v28 =	vmul.f32 v28, v28;
	v30 =	vadd.f32 v30, v31;
	v31 =	vadd.f32 v33, v32;
	v32 =	vld [tilespmem:s21+$0x20]  }
0x90: {  	v18 =	vmul.f32 v18, v18;
	v29 =	vadd.f32 v35, v29;
	v33 =	vld [tilespmem:s21+$0xFFFFFFE0];
	v35 =	vmul.f32 v36, v36  }
0x91: {  	v16 =	vmul.f32 v16, v16;
	v30 =	vmin.f32 v37, v30;
	v28 =	vadd.f32 v28, v31;
	v31 =	vld [tilespmem:s21+$0x10]  }
0x92: {  	[tilespmem:s21+$0xFFFFFFC0] =	vst v30;
	vm4 =	vgt.f32 v30, v11;
	v22 =	vadd.f32 v22, v29;
	v18 =	vadd.f32 v35, v18;
	v29 =	vld [tilespmem:s21+$0xFFFFFFF0]  }
0x93: {  	s24 =	sadd.s32 $0x80, s24;
	v11 =	vsel vm4, v30, v11;
	v7 =	vsel vm4, v9, v7;
	v9 =	vmin.f32 v38, v28;
	v28 =	vld [tilespmem:s21+$0x0]  }
0x94: {  	v16 =	vadd.f32 v16, v27;
	v30 =	vld [tilespmem:s24+$0x30];
	[tilespmem:s21+$0xFFFFFFD0] =	vst v9;
	vm4 =	vgt.f32 v9, v11;
	v18 =	vadd.f32 v25, v18  }
0x95: {  	s25 =	sadd.s32 $0x80, s25;
	v25 =	vld [tilespmem:s24+$0x20];
	v9 =	vsel vm4, v9, v11;
	v7 =	vsel vm4, v12, v7;
	v11 =	vmin.f32 v33, v22  }
0x96: {  	v17 =	vadd.f32 v17, v24;
	v16 =	vadd.f32 v26, v16;
	s23 =	sadd.s32 $0x80, s23;
	v12 =	vld [tilespmem:s25+$0x30];
	[tilespmem:s21+$0xFFFFFFE0] =	vst v11;
	vm4 =	vgt.f32 v11, v9  }
0x97: {  	v22 =	vld [tilespmem:s23+$0x30];
	v9 =	vsel vm4, v11, v9;
	v7 =	vsel vm4, v10, v7;
	v10 =	vmin.f32 v29, v18  }
0x98: {  	v15 =	vadd.f32 v15, v23;
	v11 =	vadd.f32 v21, v17;
	v18 =	vld [tilespmem:s24+$0x10];
	[tilespmem:s21+$0xFFFFFFF0] =	vst v10;
	vm4 =	vgt.f32 v10, v9  }
0x99: {  	v17 =	vld [tilespmem:s25+$0x20];
	v9 =	vsel vm4, v10, v9;
	v7 =	vsel vm4, v8, v7;
	v8 =	vmin.f32 v28, v16  }
0x9a: {  	v14 =	vadd.f32 v14, v20;
	v15 =	vadd.f32 v19, v15;
	v10 =	vld [tilespmem:s23+$0x20];
	[tilespmem:s21+$0x0] =	vst v8;
	vm4 =	vgt.f32 v8, v9  }
0x9b: {  	s28 =	sadd.s32 $0x50, s22;
	v16 =	vld [tilespmem:s24+$0x0];
	v8 =	vsel vm4, v8, v9;
	v6 =	vsel vm4, v6, v7;
	v7 =	vmin.f32 v31, v11  }
0x9c: {  	v9 =	vor.u32 s28, v2;
	v11 =	vadd.f32 v13, v14;
	v24 =	vld [tilespmem:s25+$0x10];
	[tilespmem:s21+$0x10] =	vst v7;
	vm4 =	vgt.f32 v7, v8  }
0x9d: {  	s29 =	sadd.s32 $0x70, s22;
	s28 =	sadd.s32 $0x60, s22;
	s22 =	smov.u32 s26;
	v27 =	vld [tilespmem:s23+$0x10];
	v7 =	vsel vm4, v7, v8;
	v6 =	vsel vm4, v9, v6;
	v8 =	vmin.f32 v32, v15  }
0x9e: {  	v14 =	vor.u32 s29, v2;
	v9 =	vor.u32 s28, v2;
	v31 =	vld [tilespmem:s24+$0xFFFFFFF0];
	[tilespmem:s21+$0x20] =	vst v8;
	vm4 =	vgt.f32 v8, v7  }
0x9f: {  	v32 =	vld [tilespmem:s25+$0x0];
	v7 =	vsel vm4, v8, v7;
	v6 =	vsel vm4, v9, v6;
	v8 =	vmin.f32 v34, v11  }
0xa0: {  	v19 =	vsub.f32 v25, v5;
	v13 =	vsub.f32 v30, v5;
	v33 =	vld [tilespmem:s23+$0x0];
	[tilespmem:s21+$0x30] =	vst v8;
	vm4 =	vgt.f32 v8, v7  }
0xa1: {  	v20 =	vsub.f32 v12, v4;
	v34 =	vld [tilespmem:s24+$0xFFFFFFE0];
	v11 =	vsel vm4, v8, v7;
	v7 =	vsel vm4, v14, v6  }
0xa2: {  	v21 =	vsub.f32 v18, v5;
	v14 =	vsub.f32 v22, v3;
	v35 =	vld [tilespmem:s25+$0xFFFFFFF0]  }
.Ltmp1:
0xa3: {  	s28 =	sadd.s32 $0x40, s26;
	v23 =	vsub.f32 v17, v4;
	v9 =	vor.u32 s26, v2;
	v15 =	vsub.f32 v10, v3;
	v28 =	vld [tilespmem:s24+$0xFFFFFFD0];
	(pc) =	sbr.rel @p2 .LBB2_5-.Ltmp1, $4  }
0xa4: {  	s29 =	sadd.s32 $0x30, s26;
	v26 =	vsub.f32 v16, v5;
	v6 =	vor.u32 s28, v2;
	v24 =	vsub.f32 v24, v4;
	v29 =	vld [tilespmem:s25+$0xFFFFFFE0]  }
0xa5: {  	s28 =	sadd.s32 $0x20, s26;
	v8 =	vor.u32 s29, v2;
	v17 =	vsub.f32 v27, v3;
	v25 =	vsub.f32 v31, v5;
	v30 =	vld [tilespmem:s24+$0xFFFFFFC0]  }
0xa6: {  	s29 =	sadd.s32 $0x10, s26;
	v10 =	vor.u32 s28, v2;
	v27 =	vsub.f32 v32, v4;
	v16 =	vsub.f32 v33, v3;
	v31 =	vld [tilespmem:s25+$0xFFFFFFC0]  }
0xa7: {  	s26 =	sadd.s32 $0x80, s26;
	v12 =	vor.u32 s29, v2;
	v22 =	vsub.f32 v34, v5;
	v32 =	vld [tilespmem:s23+$0xFFFFFFC0];
	v18 =	vsub.f32 v35, v4  }
0xa8: {  	v33 =	vld [tilespmem:s25+$0xFFFFFFD0]  }
0xa9: {  	v34 =	vld [tilespmem:s23+$0xFFFFFFD0];
	v19 =	vmul.f32 v19, v19;
	v20 =	vmul.f32 v20, v20  }
0xaa: {  	v28 =	vsub.f32 v28, v5;
	v35 =	vld [tilespmem:s23+$0xFFFFFFE0];
	v21 =	vmul.f32 v21, v21;
	v23 =	vmul.f32 v23, v23  }
0xab: {  	v26 =	vmul.f32 v26, v26;
	v24 =	vmul.f32 v24, v24;
	v5 =	vsub.f32 v30, v5  }
0xac: {  	v45 =	vld [tilespmem:s23+$0xFFFFFFF0];
	v25 =	vmul.f32 v25, v25;
	v30 =	vsub.f32 v31, v4;
	v31 =	vsub.f32 v32, v3  }
0xad: {  	v27 =	vmul.f32 v27, v27;
	v29 =	vsub.f32 v29, v4;
	v4 =	vsub.f32 v33, v4  }
0xae: {  	s21 =	sadd.s32 $0x80, s21;
	v30 =	vmul.f32 v30, v30;
	v46 =	vsub.f32 v34, v3;
	v31 =	vmul.f32 v31, v31  }
0xaf: {  	v47 =	vld [tilespmem:s21+$0xFFFFFFC0];
	v22 =	vmul.f32 v22, v22;
	v5 =	vmul.f32 v5, v5;
	v35 =	vsub.f32 v35, v3  }
0xb0: {  	v4 =	vmul.f32 v4, v4;
	v30 =	vadd.f32 v31, v30;
	v31 =	vmul.f32 v46, v46  }
0xb1: {  	v48 =	vld [tilespmem:s21+$0xFFFFFFD0];
	v28 =	vmul.f32 v28, v28;
	v29 =	vmul.f32 v29, v29;
	v3 =	vsub.f32 v45, v3  }
0xb2: {  	v35 =	vmul.f32 v35, v35;
	v5 =	vadd.f32 v5, v30;
	v4 =	vadd.f32 v31, v4  }
0xb3: {  	v18 =	vmul.f32 v18, v18;
	v3 =	vmul.f32 v3, v3;
	v30 =	vld [tilespmem:s21+$0xFFFFFFE0]  }
0xb4: {  	v29 =	vadd.f32 v35, v29;
	v5 =	vmin.f32 v47, v5;
	v4 =	vadd.f32 v28, v4  }
0xb5: {  	v16 =	vmul.f32 v16, v16;
	v3 =	vadd.f32 v3, v18;
	v28 =	vld [tilespmem:s21+$0xFFFFFFF0];
	vm4 =	vgt.f32 v5, v11  }
0xb6: {  	v22 =	vadd.f32 v22, v29;
	v11 =	vsel vm4, v5, v11;
	v4 =	vmin.f32 v48, v4  }
0xb7: {  	v17 =	vmul.f32 v17, v17;
	v16 =	vadd.f32 v16, v27;
	v18 =	vld [tilespmem:s21+$0x0];
	vm5 =	vgt.f32 v4, v11  }
0xb8: {  	v3 =	vadd.f32 v25, v3;
	v22 =	vmin.f32 v30, v22;
	v11 =	vsel vm5, v4, v11  }
0xb9: {  	v15 =	vmul.f32 v15, v15;
	v17 =	vadd.f32 v17, v24;
	v25 =	vld [tilespmem:s21+$0x10];
	vm6 =	vgt.f32 v22, v11  }
0xba: {  	v16 =	vadd.f32 v26, v16;
	v3 =	vmin.f32 v28, v3;
	v11 =	vsel vm6, v22, v11  }
0xbb: {  	v14 =	vmul.f32 v14, v14;
	v24 =	vld [tilespmem:s21+$0x20];
	v15 =	vadd.f32 v15, v23;
	vm7 =	vgt.f32 v3, v11  }
0xbc: {  	v17 =	vadd.f32 v21, v17;
	v16 =	vmin.f32 v18, v16;
	v11 =	vsel vm7, v3, v11  }
0xbd: {  	v13 =	vmul.f32 v13, v13;
	v14 =	vadd.f32 v14, v20;
	v18 =	vld [tilespmem:s21+$0x30];
	vm8 =	vgt.f32 v16, v11  }
0xbe: {  	v15 =	vadd.f32 v19, v15;
	v17 =	vmin.f32 v25, v17;
	v11 =	vsel vm8, v16, v11  }
0xbf: {  	vm9 =	vgt.f32 v17, v11  }
0xc0: {  	v13 =	vadd.f32 v13, v14;
	v14 =	vmin.f32 v24, v15;
	v11 =	vsel vm9, v17, v11  }
0xc1: {  	vm10 =	vgt.f32 v14, v11  }
0xc2: {  	v13 =	vmin.f32 v18, v13;
	v11 =	vsel vm10, v14, v11  }
0xc3: {  	vm11 =	vgt.f32 v13, v11  }
0xc4: {  	v11 =	vsel vm11, v13, v11  }
0xc5: {  	(xrf0) =	vmax.scan.msk.f32 $0xffff, v11  }
0xc6: {  	v7 =	vsel vm4, v9, v7  }
0xc7: {  	v7 =	vsel vm5, v12, v7  }
0xc8: {  	v7 =	vsel vm6, v10, v7  }
0xc9: {  	s25 =	sadd.s32 $0x50, s22;
	v7 =	vsel vm7, v8, v7  }
0xca: {  	s26 =	sadd.s32 $0x60, s22;
	v6 =	vsel vm8, v6, v7;
	v7 =	vor.u32 s25, v2  }
0xcb: {  	s28 =	sadd.s32 $0x70, s22;
	v6 =	vsel vm9, v7, v6;
	v7 =	vor.u32 s26, v2;
	v8, _, _ =	vpop (xrf0)  }
0xcc: {  	v9 =	vor.u32 s28, v2;
	v6 =	vsel vm10, v7, v6;
	v7 =	vbroadcast v8, $0xF  }
0xcd: {  	v6 =	vsel vm11, v9, v6  }
0xce: {  	v6 =	vxor.u32 $0x80000000, v6;
	vm4 =	veq.f32 v11, v7  }
0xcf: {  	v6 =	vnsel vm4, $0xC0000000, v6  }
0xd0: {  	(xrf0) =	vmin.scan.msk.u32 $0xffff, v6;
	_ =	sdelay $0x5  }
0xd1: {  	v6, _, _ =	vpop (xrf0)  }
0xd2: {  	(v2sf) =	vpush v6, $0xF;
	_ =	sdelay $0xe  }
0xd3: {  	[tilespmem:s21+$0x20] =	vst v14;
	s29 =	spop (v2sf)  }
0xd4: {  	[tilespmem:s21+$0xFFFFFFC0] =	vst v5;
	s30 =	sxor.u32 $0x80000000, s29  }
0xd5: {  	[tilespmem:s21+$0xFFFFFFD0] =	vst v4;
	p3 =	sgt.s32 s29, $0xFFFFFFFF;
	s22 =	sand.u32 $0xF, s29;
	p2 =	slt.s32 s30, $0x1  }
0xd6: {  	[tilespmem:s21+$0x0] =	vst v16;
	s24 =	sshra.s32 s30, $0x1F;
	p6 =	sne.s32 s22, $0x0;
	p2 =	por p3, p2  }
0xd7: {  	[tilespmem:s21+$0xFFFFFFE0] =	vst v22;
	s31 =	sshrl.u32 s24, $0x1C;
	p2 =	por !p6, !p2  }
0xd8: {  	[tilespmem:s21+$0x10] =	vst v17;
	s24 =	simm.s32 $0x1;
	s22 =	sadd.s32 s31, s30;
	p2 =	por !p2, !p2  }
0xd9: {  	[tilespmem:s21+$0xFFFFFFF0] =	vst v3;
	s22 =	sshrl.u32 s22, $0x4;
	s24 =	simm.s32 @!p2 $0x0  }
0xda: {  	[tilespmem:s21+$0x30] =	vst v13;
	s22 =	ssub.s32 s22, s24  }
0xdb: {  	[tilespmem:$0x4000] =	vst v7;
	s21 =	sshll.u32 s22, $0x4  }
0xdc: {  	v3 =	vld [tilespmem:s21+$0x0];
	_ =	sdelay $0x1  }
0xdd: {  	s24 =	ssub.s32 s30, s21  }
0xde: {  	v4 =	vmov s24  }
0xdf: {  	vm4 =	veq.s32 v4, v2  }
0xe0: {  	v3 =	vnsel vm4, $0xFF61B1E6, v3  }
0xe1: {  	(xrf0) =	vmax.scan.msk.f32 $0xffff, v3;
	_ =	sdelay $0x5  }
0xe2: {  	v3, _, _ =	vpop (xrf0)  }
0xe3: {  	v3 =	vbroadcast v3, $0xF;
	_ =	sdelay $0x1  }
0xe4: {  	[tilespmem:$0x4010] =	vst v3  }
0xe5: {  	v3 =	vld [tilespmem:s21+$0x1000];
	_ =	sdelay $0x4  }
0xe6: {  	v3 =	vnsel vm4, $0xFF61B1E6, v3  }
0xe7: {  	(xrf0) =	vmax.scan.msk.f32 $0xffff, v3;
	_ =	sdelay $0x5  }
0xe8: {  	v3, _, _ =	vpop (xrf0)  }
0xe9: {  	v3 =	vbroadcast v3, $0xF;
	_ =	sdelay $0x1  }
0xea: {  	[tilespmem:$0x4020] =	vst v3  }
0xeb: {  	v3 =	vld [tilespmem:s21+$0x2000];
	_ =	sdelay $0x4  }
0xec: {  	v3 =	vnsel vm4, $0xFF61B1E6, v3  }
0xed: {  	(xrf0) =	vmax.scan.msk.f32 $0xffff, v3;
	_ =	sdelay $0x5  }
0xee: {  	v3, _, _ =	vpop (xrf0)  }
0xef: {  	v3 =	vbroadcast v3, $0xF;
	_ =	sdelay $0x1  }
0xf0: {  	[tilespmem:$0x4030] =	vst v3  }
0xf1: {  	[spmem:s8] =	stream.linear.scatter [tilespmem:s15], [sflag:$0x1], $0x40, $0x38;
	[tilespmem:$0x6200] =	vst v63  }
0xf2: {  	_ =	swait.ge [sflag:s13], $0x40  }
0xf3: {  	[sflag:s13] =	ssyncset.done $0x0  }
0xf4: {  	[sflag:s13] =	ssyncadd.s32 $0xFFFFFFC0  }
0xf5: {  	[bflag:$0x0] =	sbarrier.arrive $0xFFFF  }
0xf6: {  	[tilespmem:s16], [sflag:$0x1] =	stream.linear.gather [spmem:s9], $0x100, $0x38;
	[tilespmem:$0x6200] =	vst v63  }
0xf7: {  	_ =	swait.ge [sflag:s13], $0x100  }
0xf8: {  	[sflag:s13] =	ssyncset.done $0x0  }
0xf9: {  	[sflag:s13] =	ssyncadd.s32 $0xFFFFFF00  }
0xfa: {  	v3 =	vld [tilespmem:$0x4080]  }
0xfb: {  	v4 =	vld [tilespmem:$0x4090]  }
0xfc: {  	v5 =	vld [tilespmem:$0x40A0]  }
0xfd: {  	v6 =	vld [tilespmem:$0x40B0]  }
0xfe: {  	v7 =	vld [tilespmem:$0x40C0]  }
0xff: {  	v8 =	vld [tilespmem:$0x40D0]  }
0x100: {  	v9 =	vld [tilespmem:$0x40E0]  }
0x101: {  	v10 =	vld [tilespmem:$0x40F0]  }
0x102: {  	v11 =	vld [tilespmem:$0x4100]  }
0x103: {  	v12 =	vld [tilespmem:$0x4110]  }
0x104: {  	v13 =	vld [tilespmem:$0x4120]  }
0x105: {  	v14 =	vld [tilespmem:$0x4130]  }
0x106: {  	v15 =	vld [tilespmem:$0x4140]  }
0x107: {  	v16 =	vld [tilespmem:$0x4170];
	vm4 =	vgt.f32 v7, v3  }
0x108: {  	v3 =	vsel vm4, v7, v3;
	v7 =	vld [tilespmem:$0x4160]  }
0x109: {  	v17 =	vld [tilespmem:$0x4150];
	vm5 =	vgt.f32 v11, v3  }
0x10a: {  	v4 =	vsel vm4, v8, v4;
	v6 =	vsel vm4, v10, v6;
	v3 =	vsel vm5, v11, v3  }
0x10b: {  	v5 =	vsel vm4, v9, v5;
	v6 =	vsel vm5, v14, v6;
	vm4 =	vgt.f32 v15, v3  }
0x10c: {  	v8 =	vsel vm5, v13, v5;
	v9 =	vsel vm4, v15, v3;
	v5 =	vsel vm4, v16, v6  }
0x10d: {  	v4 =	vsel vm5, v12, v4;
	v3 =	vsel vm4, v7, v8;
	v6 =	vsel vm1, v9, v5  }
0x10e: {  	v4 =	vsel vm4, v17, v4;
	v6 =	vsel vm2, v6, v3  }
0x10f: {  	v6 =	vsel vm3, v6, v4  }
0x110: {  	s25 =	simm.s32 $0x2040;
	[tilespmem:s20+$0x4190] =	vst v6  }
0x111: {  	v6 =	vld [tilespmem:s25+$0x30]  }
0x112: {  	s26 =	simm.s32 $0x40;
	v7 =	vld [tilespmem:s25+$0x20]  }
0x113: {  	s28 =	simm.s32 $0x1040;
	v8 =	vld [tilespmem:s26+$0x30]  }
0x114: {  	v9 =	vld [tilespmem:s28+$0x30]  }
0x115: {  	v10 =	vld [tilespmem:s25+$0x10]  }
0x116: {  	v11 =	vld [tilespmem:s26+$0x20]  }
0x117: {  	v12 =	vld [tilespmem:s28+$0x20]  }
0x118: {  	v13 =	vld [tilespmem:s25+$0x0]  }
0x119: {  	v14 =	vld [tilespmem:s26+$0x10]  }
0x11a: {  	v15 =	vld [tilespmem:s28+$0x10]  }
0x11b: {  	v16 =	vld [tilespmem:s25+$0xFFFFFFF0]  }
0x11c: {  	v17 =	vld [tilespmem:s26+$0x0]  }
0x11d: {  	v19 =	vimm.f32 $-3.000000010e+38;
	v18 =	vld [tilespmem:s28+$0x0];
	v7 =	vsub.f32 v7, v5;
	v6 =	vsub.f32 v6, v5  }
0x11e: {  	s23 =	simm.s32 $0x20;
	v21 =	vimm.s32 $0x0;
	v20 =	vld [tilespmem:s25+$0xFFFFFFE0];
	v8 =	vsub.f32 v8, v4;
	v10 =	vsub.f32 v10, v5  }
0x11f: {  	v30 =	vor.u32 s23, v2;
	s29 =	simm.s32 $0x0;
	v22 =	vld [tilespmem:s26+$0xFFFFFFF0];
	v9 =	vsub.f32 v9, v3;
	v11 =	vsub.f32 v11, v4  }
0x120: {  	v23 =	vor.u32 s29, v2;
	s31 =	simm.s32 $0x30;
	v25 =	vld [tilespmem:s26+$0xFFFFFFE0];
	v12 =	vsub.f32 v12, v3;
	v13 =	vsub.f32 v13, v5  }
0x121: {  	v28 =	vor.u32 s31, v2;
	s30 =	simm.s32 $0x40;
	v29 =	vld [tilespmem:s26+$0xFFFFFFC0];
	v14 =	vsub.f32 v14, v4;
	v16 =	vsub.f32 v16, v5  }
0x122: {  	v26 =	vor.u32 s30, v2;
	s24 =	simm.s32 $0x10;
	v31 =	vld [tilespmem:s28+$0xFFFFFFC0];
	v15 =	vsub.f32 v15, v3;
	v17 =	vsub.f32 v17, v4  }
0x123: {  	v49 =	vor.u32 s24, v2;
	v27 =	vld [tilespmem:s25+$0xFFFFFFC0];
	v18 =	vsub.f32 v18, v3;
	v20 =	vsub.f32 v20, v5  }
0x124: {  	v51 =	vld [tilespmem:s28+$0xFFFFFFD0];
	v22 =	vsub.f32 v22, v4;
	v7 =	vmul.f32 v7, v7;
	v6 =	vmul.f32 v6, v6  }
0x125: {  	v52 =	vld [tilespmem:s28+$0xFFFFFFE0];
	v25 =	vsub.f32 v25, v4;
	v8 =	vmul.f32 v8, v8;
	v9 =	vmul.f32 v9, v9  }
0x126: {  	v36 =	vld [tilespmem:s28+$0xFFFFFFF0];
	v29 =	vsub.f32 v29, v4;
	v10 =	vmul.f32 v10, v10;
	v11 =	vmul.f32 v11, v11  }
0x127: {  	v50 =	vld [tilespmem:s26+$0xFFFFFFD0];
	v31 =	vsub.f32 v31, v3;
	v13 =	vmul.f32 v13, v13;
	v12 =	vmul.f32 v12, v12  }
0x128: {  	v24 =	vld [tilespmem:s25+$0xFFFFFFD0];
	v27 =	vsub.f32 v27, v5;
	v14 =	vmul.f32 v14, v14;
	v15 =	vmul.f32 v15, v15  }
0x129: {  	s20 =	simm.s32 $0x3040;
	v34 =	vsub.f32 v51, v3;
	v29 =	vmul.f32 v29, v29;
	v31 =	vmul.f32 v31, v31  }
0x12a: {  	v37 =	vld [tilespmem:s20+$0xFFFFFFC0];
	v35 =	vsub.f32 v52, v3;
	v17 =	vmul.f32 v17, v17;
	v27 =	vmul.f32 v27, v27  }
0x12b: {  	v54 =	vld [tilespmem:s20+$0x30];
	v36 =	vsub.f32 v36, v3;
	v53 =	vmul.f32 v34, v34;
	v25 =	vmul.f32 v25, v25  }
0x12c: {  	v38 =	vld [tilespmem:s20+$0xFFFFFFD0];
	v33 =	vsub.f32 v50, v4;
	v35 =	vmul.f32 v35, v35;
	v22 =	vmul.f32 v22, v22  }
0x12d: {  	v55 =	vld [tilespmem:s20+$0xFFFFFFE0];
	v24 =	vsub.f32 v24, v5;
	v56 =	vmul.f32 v36, v36;
	v18 =	vmul.f32 v18, v18  }
0x12e: {  	s24 =	simm.s32 $0xC0;
	v57 =	vld [tilespmem:s20+$0x0];
	v29 =	vadd.f32 v31, v29;
	v31 =	vmul.f32 v33, v33;
	v25 =	vadd.f32 v35, v25  }
0x12f: {  	s23 =	simm.s32 $0x20C0;
	v59 =	vld [tilespmem:s24+$0x10];
	v16 =	vmul.f32 v16, v16;
	v22 =	vadd.f32 v56, v22;
	v17 =	vadd.f32 v18, v17  }
0x130: {  	v61 =	vld [tilespmem:s23+$0xFFFFFFF0];
	v24 =	vmul.f32 v24, v24;
	v27 =	vadd.f32 v27, v29;
	v29 =	vadd.f32 v53, v31  }
0x131: {  	s22 =	simm.s32 $0x10C0;
	v62 =	vld [tilespmem:s24+$0x0];
	v20 =	vmul.f32 v20, v20;
	v14 =	vadd.f32 v15, v14;
	v11 =	vadd.f32 v12, v11  }
0x132: {  	v63 =	vld [tilespmem:s22+$0x0];
	v8 =	vadd.f32 v9, v8;
	v27 =	vmin.f32 v37, v27;
	v24 =	vadd.f32 v24, v29  }
0x133: {  	v20 =	vadd.f32 v20, v25;
	v25 =	vld [tilespmem:s20+$0xFFFFFFF0];
	v16 =	vadd.f32 v16, v22;
	vm4 =	vgt.f32 v27, v19  }
0x134: {  	v18 =	vld [tilespmem:s23+$0x20];
	v13 =	vadd.f32 v13, v17;
	v19 =	vsel vm4, v27, v19;
	v24 =	vmin.f32 v38, v24  }
0x135: {  	v31 =	vld [tilespmem:s20+$0x20];
	v10 =	vadd.f32 v10, v14;
	v21 =	vsel vm4, v23, v21;
	vm4 =	vgt.f32 v24, v19  }
0x136: {  	v6 =	vadd.f32 v6, v8;
	v29 =	vld [tilespmem:s20+$0x10];
	v22 =	vmin.f32 v55, v20;
	v19 =	vsel vm4, v24, v19  }
0x137: {  	v7 =	vadd.f32 v7, v11;
	v20 =	vsel vm4, v49, v21;
	v21 =	vld [tilespmem:s24+$0x30];
	vm4 =	vgt.f32 v22, v19  }
0x138: {  	v34 =	vmin.f32 v54, v6;
	v16 =	vmin.f32 v25, v16;
	v25 =	vld [tilespmem:s23+$0x10];
	v17 =	vsel vm4, v22, v19  }
0x139: {  	v58 =	vld [tilespmem:s23+$0x0];
	[tilespmem:s20+$0xFFFFFFC0] =	vst v27;
	v27 =	vsub.f32 v62, v4;
	v19 =	vsel vm4, v30, v20;
	vm4 =	vgt.f32 v16, v17  }
0x13a: {  	v60 =	vld [tilespmem:s22+$0x10];
	v31 =	vmin.f32 v31, v7;
	[tilespmem:s20+$0xFFFFFFD0] =	vst v24;
	v24 =	vsub.f32 v59, v4;
	v14 =	vsel vm4, v16, v17  }
0x13b: {  	v39 =	vld [tilespmem:s24+$0xFFFFFFF0];
	v17 =	vmin.f32 v57, v13;
	v13 =	vsel vm4, v28, v19;
	v19 =	vsub.f32 v18, v5  }
0x13c: {  	v23 =	vld [tilespmem:s23+$0x30];
	[tilespmem:s20+$0xFFFFFFF0] =	vst v16;
	v10 =	vmin.f32 v29, v10;
	v16 =	vsub.f32 v63, v3;
	v20 =	vsub.f32 v21, v4  }
0x13d: {  	s25 =	simm.s32 $0x50;
	v12 =	vld [tilespmem:s24+$0x20];
	vm4 =	vgt.f32 v17, v14;
	v21 =	vsub.f32 v25, v5;
	v25 =	vsub.f32 v61, v5  }
0x13e: {  	s28 =	simm.s32 $0x70;
	v15 =	vld [tilespmem:s22+$0x30];
	v9 =	vsel vm4, v17, v14;
	v11 =	vsel vm4, v26, v13;
	v13 =	vor.u32 s25, v2  }
0x13f: {  	v30 =	vld [tilespmem:s22+$0x20];
	v14 =	vor.u32 s28, v2;
	v26 =	vsub.f32 v58, v5;
	vm4 =	vgt.f32 v10, v9  }
0x140: {  	s26 =	simm.s32 $0x60;
	v18 =	vld [tilespmem:s23+$0xFFFFFFE0];
	[tilespmem:s20+$0x0] =	vst v17;
	v17 =	vsub.f32 v60, v3;
	v8 =	vsel vm4, v10, v9;
	v7 =	vsel vm4, v13, v11  }
0x141: {  	s30 =	simm.s32 $0xA0;
	v9 =	vor.u32 s26, v2;
	v13 =	vsub.f32 v23, v5;
	vm4 =	vgt.f32 v31, v8  }
0x142: {  	s31 =	simm.s32 $0x90;
	[tilespmem:s20+$0x10] =	vst v10;
	v28 =	vld [tilespmem:s23+$0xFFFFFFD0];
	v23 =	vsub.f32 v12, v4;
	v10 =	vor.u32 s30, v2;
	v8 =	vsel vm4, v31, v8  }
0x143: {  	v29 =	vld [tilespmem:s24+$0xFFFFFFE0];
	v12 =	vor.u32 s31, v2;
	v6 =	vsel vm4, v9, v7;
	vm4 =	vgt.f32 v34, v8  }
0x144: {  	s21 =	simm.s32 $0x80;
	[tilespmem:s20+$0xFFFFFFE0] =	vst v22;
	v7 =	vsel vm4, v14, v6;
	v14 =	vsub.f32 v15, v3;
	v15 =	vsub.f32 v30, v3;
	v30 =	vld [tilespmem:s23+$0xFFFFFFC0]  }
0x145: {  	s29 =	simm.s32 $0xC0;
	[tilespmem:s20+$0x20] =	vst v31;
	s26 =	simm.s32 $0xB0;
	v22 =	vsub.f32 v18, v5;
	v18 =	vsub.f32 v39, v4;
	v9 =	vor.u32 s21, v2;
	v31 =	vld [tilespmem:s24+$0xFFFFFFC0]  }
0x146: {  	v32 =	vld [tilespmem:s22+$0xFFFFFFC0];
	[tilespmem:s20+$0x30] =	vst v34;
	s25 =	simm.s32 $0x100;
	v11 =	vsel vm4, v34, v8;
	v6 =	vor.u32 s29, v2;
	v8 =	vor.u32 s26, v2  }
.LBB2_7:
0x147: {  	p2 =	slt.u32 s25, $0xF80;
	v33 =	vld [tilespmem:s24+$0xFFFFFFD0];
	v28 =	vsub.f32 v28, v5;
	v19 =	vmul.f32 v19, v19;
	v13 =	vmul.f32 v13, v13  }
0x148: {  	v20 =	vmul.f32 v20, v20;
	v14 =	vmul.f32 v14, v14;
	v34 =	vld [tilespmem:s22+$0xFFFFFFD0];
	v29 =	vsub.f32 v29, v4  }
0x149: {  	v21 =	vmul.f32 v21, v21;
	v23 =	vmul.f32 v23, v23;
	v30 =	vsub.f32 v30, v5;
	v35 =	vld [tilespmem:s22+$0xFFFFFFE0]  }
0x14a: {  	v26 =	vmul.f32 v26, v26;
	v15 =	vmul.f32 v15, v15;
	v31 =	vsub.f32 v31, v4  }
0x14b: {  	v24 =	vmul.f32 v24, v24;
	v17 =	vmul.f32 v17, v17;
	v32 =	vsub.f32 v32, v3;
	v36 =	vld [tilespmem:s22+$0xFFFFFFF0]  }
0x14c: {  	v25 =	vmul.f32 v25, v25;
	v27 =	vmul.f32 v27, v27;
	v33 =	vsub.f32 v33, v4  }
0x14d: {  	s20 =	sadd.s32 $0x80, s20;
	v31 =	vmul.f32 v31, v31;
	v32 =	vmul.f32 v32, v32;
	v34 =	vsub.f32 v34, v3  }
0x14e: {  	v22 =	vmul.f32 v22, v22;
	v30 =	vmul.f32 v30, v30;
	v37 =	vld [tilespmem:s20+$0xFFFFFFC0];
	v35 =	vsub.f32 v35, v3  }
0x14f: {  	v31 =	vadd.f32 v32, v31;
	v32 =	vmul.f32 v33, v33;
	v33 =	vmul.f32 v34, v34;
	v34 =	vld [tilespmem:s20+$0x30]  }
0x150: {  	v29 =	vmul.f32 v29, v29;
	v38 =	vld [tilespmem:s20+$0xFFFFFFD0];
	v35 =	vmul.f32 v35, v35;
	v36 =	vsub.f32 v36, v3  }
0x151: {  	v28 =	vmul.f32 v28, v28;
	v30 =	vadd.f32 v30, v31;
	v31 =	vadd.f32 v33, v32;
	v32 =	vld [tilespmem:s20+$0x20]  }
0x152: {  	v18 =	vmul.f32 v18, v18;
	v29 =	vadd.f32 v35, v29;
	v33 =	vld [tilespmem:s20+$0xFFFFFFE0];
	v35 =	vmul.f32 v36, v36  }
0x153: {  	v16 =	vmul.f32 v16, v16;
	v30 =	vmin.f32 v37, v30;
	v28 =	vadd.f32 v28, v31;
	v31 =	vld [tilespmem:s20+$0x10]  }
0x154: {  	[tilespmem:s20+$0xFFFFFFC0] =	vst v30;
	vm4 =	vgt.f32 v30, v11;
	v22 =	vadd.f32 v22, v29;
	v18 =	vadd.f32 v35, v18;
	v29 =	vld [tilespmem:s20+$0xFFFFFFF0]  }
0x155: {  	s23 =	sadd.s32 $0x80, s23;
	v11 =	vsel vm4, v30, v11;
	v7 =	vsel vm4, v9, v7;
	v9 =	vmin.f32 v38, v28;
	v28 =	vld [tilespmem:s20+$0x0]  }
0x156: {  	v16 =	vadd.f32 v16, v27;
	v30 =	vld [tilespmem:s23+$0x30];
	[tilespmem:s20+$0xFFFFFFD0] =	vst v9;
	vm4 =	vgt.f32 v9, v11;
	v18 =	vadd.f32 v25, v18  }
0x157: {  	s24 =	sadd.s32 $0x80, s24;
	v25 =	vld [tilespmem:s23+$0x20];
	v9 =	vsel vm4, v9, v11;
	v7 =	vsel vm4, v12, v7;
	v11 =	vmin.f32 v33, v22  }
0x158: {  	v17 =	vadd.f32 v17, v24;
	v16 =	vadd.f32 v26, v16;
	s22 =	sadd.s32 $0x80, s22;
	v12 =	vld [tilespmem:s24+$0x30];
	[tilespmem:s20+$0xFFFFFFE0] =	vst v11;
	vm4 =	vgt.f32 v11, v9  }
0x159: {  	v22 =	vld [tilespmem:s22+$0x30];
	v9 =	vsel vm4, v11, v9;
	v7 =	vsel vm4, v10, v7;
	v10 =	vmin.f32 v29, v18  }
0x15a: {  	v15 =	vadd.f32 v15, v23;
	v11 =	vadd.f32 v21, v17;
	v18 =	vld [tilespmem:s23+$0x10];
	[tilespmem:s20+$0xFFFFFFF0] =	vst v10;
	vm4 =	vgt.f32 v10, v9  }
0x15b: {  	v17 =	vld [tilespmem:s24+$0x20];
	v9 =	vsel vm4, v10, v9;
	v7 =	vsel vm4, v8, v7;
	v8 =	vmin.f32 v28, v16  }
0x15c: {  	v14 =	vadd.f32 v14, v20;
	v15 =	vadd.f32 v19, v15;
	v10 =	vld [tilespmem:s22+$0x20];
	[tilespmem:s20+$0x0] =	vst v8;
	vm4 =	vgt.f32 v8, v9  }
0x15d: {  	s26 =	sadd.s32 $0x50, s21;
	v16 =	vld [tilespmem:s23+$0x0];
	v8 =	vsel vm4, v8, v9;
	v6 =	vsel vm4, v6, v7;
	v7 =	vmin.f32 v31, v11  }
0x15e: {  	v9 =	vor.u32 s26, v2;
	v11 =	vadd.f32 v13, v14;
	v24 =	vld [tilespmem:s24+$0x10];
	[tilespmem:s20+$0x10] =	vst v7;
	vm4 =	vgt.f32 v7, v8  }
0x15f: {  	s28 =	sadd.s32 $0x70, s21;
	s26 =	sadd.s32 $0x60, s21;
	s21 =	smov.u32 s25;
	v27 =	vld [tilespmem:s22+$0x10];
	v7 =	vsel vm4, v7, v8;
	v6 =	vsel vm4, v9, v6;
	v8 =	vmin.f32 v32, v15  }
0x160: {  	v14 =	vor.u32 s28, v2;
	v9 =	vor.u32 s26, v2;
	v31 =	vld [tilespmem:s23+$0xFFFFFFF0];
	[tilespmem:s20+$0x20] =	vst v8;
	vm4 =	vgt.f32 v8, v7  }
0x161: {  	v32 =	vld [tilespmem:s24+$0x0];
	v7 =	vsel vm4, v8, v7;
	v6 =	vsel vm4, v9, v6;
	v8 =	vmin.f32 v34, v11  }
0x162: {  	v19 =	vsub.f32 v25, v5;
	v13 =	vsub.f32 v30, v5;
	v33 =	vld [tilespmem:s22+$0x0];
	[tilespmem:s20+$0x30] =	vst v8;
	vm4 =	vgt.f32 v8, v7  }
0x163: {  	v20 =	vsub.f32 v12, v4;
	v34 =	vld [tilespmem:s23+$0xFFFFFFE0];
	v11 =	vsel vm4, v8, v7;
	v7 =	vsel vm4, v14, v6  }
0x164: {  	v21 =	vsub.f32 v18, v5;
	v14 =	vsub.f32 v22, v3;
	v35 =	vld [tilespmem:s24+$0xFFFFFFF0]  }
.Ltmp2:
0x165: {  	s26 =	sadd.s32 $0x40, s25;
	v23 =	vsub.f32 v17, v4;
	v9 =	vor.u32 s25, v2;
	v15 =	vsub.f32 v10, v3;
	v28 =	vld [tilespmem:s23+$0xFFFFFFD0];
	(pc) =	sbr.rel @p2 .LBB2_7-.Ltmp2, $4  }
0x166: {  	s28 =	sadd.s32 $0x30, s25;
	v26 =	vsub.f32 v16, v5;
	v6 =	vor.u32 s26, v2;
	v24 =	vsub.f32 v24, v4;
	v29 =	vld [tilespmem:s24+$0xFFFFFFE0]  }
0x167: {  	s26 =	sadd.s32 $0x20, s25;
	v8 =	vor.u32 s28, v2;
	v17 =	vsub.f32 v27, v3;
	v25 =	vsub.f32 v31, v5;
	v30 =	vld [tilespmem:s23+$0xFFFFFFC0]  }
0x168: {  	s28 =	sadd.s32 $0x10, s25;
	v10 =	vor.u32 s26, v2;
	v27 =	vsub.f32 v32, v4;
	v16 =	vsub.f32 v33, v3;
	v31 =	vld [tilespmem:s24+$0xFFFFFFC0]  }
0x169: {  	s25 =	sadd.s32 $0x80, s25;
	v12 =	vor.u32 s28, v2;
	v22 =	vsub.f32 v34, v5;
	v32 =	vld [tilespmem:s22+$0xFFFFFFC0];
	v18 =	vsub.f32 v35, v4  }
0x16a: {  	v33 =	vld [tilespmem:s24+$0xFFFFFFD0]  }
0x16b: {  	v34 =	vld [tilespmem:s22+$0xFFFFFFD0];
	v19 =	vmul.f32 v19, v19;
	v20 =	vmul.f32 v20, v20  }
0x16c: {  	v28 =	vsub.f32 v28, v5;
	v35 =	vld [tilespmem:s22+$0xFFFFFFE0];
	v21 =	vmul.f32 v21, v21;
	v23 =	vmul.f32 v23, v23  }
0x16d: {  	v26 =	vmul.f32 v26, v26;
	v24 =	vmul.f32 v24, v24;
	v29 =	vsub.f32 v29, v4  }
0x16e: {  	v46 =	vld [tilespmem:s22+$0xFFFFFFF0];
	v25 =	vmul.f32 v25, v25;
	v44 =	vsub.f32 v31, v4;
	v45 =	vsub.f32 v32, v3  }
0x16f: {  	v27 =	vmul.f32 v27, v27;
	v43 =	vsub.f32 v30, v5;
	v47 =	vsub.f32 v33, v4  }
0x170: {  	s20 =	sadd.s32 $0x80, s20;
	v30 =	vmul.f32 v44, v44;
	v48 =	vsub.f32 v34, v3;
	v31 =	vmul.f32 v45, v45  }
0x171: {  	v49 =	vld [tilespmem:s20+$0xFFFFFFC0];
	v22 =	vmul.f32 v22, v22;
	v5 =	vmul.f32 v43, v43;
	v35 =	vsub.f32 v35, v3  }
0x172: {  	v4 =	vmul.f32 v47, v47;
	v50 =	vmul.f32 v48, v48;
	v30 =	vadd.f32 v31, v30  }
0x173: {  	v51 =	vld [tilespmem:s20+$0xFFFFFFD0];
	v28 =	vmul.f32 v28, v28;
	v29 =	vmul.f32 v29, v29;
	v3 =	vsub.f32 v46, v3  }
0x174: {  	v35 =	vmul.f32 v35, v35;
	v4 =	vadd.f32 v50, v4;
	v5 =	vadd.f32 v5, v30  }
0x175: {  	v52 =	vld [tilespmem:s20+$0xFFFFFFE0];
	v18 =	vmul.f32 v18, v18;
	v3 =	vmul.f32 v3, v3  }
0x176: {  	v29 =	vadd.f32 v35, v29;
	v4 =	vadd.f32 v28, v4;
	v5 =	vmin.f32 v49, v5  }
0x177: {  	v16 =	vmul.f32 v16, v16;
	v53 =	vld [tilespmem:s20+$0xFFFFFFF0];
	v3 =	vadd.f32 v3, v18;
	vm4 =	vgt.f32 v5, v11  }
0x178: {  	v22 =	vadd.f32 v22, v29;
	v4 =	vmin.f32 v51, v4;
	v11 =	vsel vm4, v5, v11  }
0x179: {  	v17 =	vmul.f32 v17, v17;
	v54 =	vld [tilespmem:s20+$0x0];
	v16 =	vadd.f32 v16, v27;
	vm5 =	vgt.f32 v4, v11  }
0x17a: {  	v3 =	vadd.f32 v25, v3;
	v22 =	vmin.f32 v52, v22;
	v11 =	vsel vm5, v4, v11  }
0x17b: {  	v15 =	vmul.f32 v15, v15;
	v55 =	vld [tilespmem:s20+$0x10];
	v17 =	vadd.f32 v17, v24;
	vm6 =	vgt.f32 v22, v11  }
0x17c: {  	v16 =	vadd.f32 v26, v16;
	v3 =	vmin.f32 v53, v3;
	v11 =	vsel vm6, v22, v11  }
0x17d: {  	v14 =	vmul.f32 v14, v14;
	v56 =	vld [tilespmem:s20+$0x20];
	v15 =	vadd.f32 v15, v23;
	vm7 =	vgt.f32 v3, v11  }
0x17e: {  	v17 =	vadd.f32 v21, v17;
	v16 =	vmin.f32 v54, v16;
	v11 =	vsel vm7, v3, v11  }
0x17f: {  	v13 =	vmul.f32 v13, v13;
	v57 =	vld [tilespmem:s20+$0x30];
	v14 =	vadd.f32 v14, v20;
	vm8 =	vgt.f32 v16, v11  }
0x180: {  	v15 =	vadd.f32 v19, v15;
	v17 =	vmin.f32 v55, v17;
	v11 =	vsel vm8, v16, v11  }
0x181: {  	vm9 =	vgt.f32 v17, v11  }
0x182: {  	v13 =	vadd.f32 v13, v14;
	v58 =	vmin.f32 v56, v15;
	v11 =	vsel vm9, v17, v11  }
0x183: {  	vm10 =	vgt.f32 v58, v11  }
0x184: {  	v13 =	vmin.f32 v57, v13;
	v11 =	vsel vm10, v58, v11  }
0x185: {  	vm11 =	vgt.f32 v13, v11  }
0x186: {  	v11 =	vsel vm11, v13, v11  }
0x187: {  	(xrf0) =	vmax.scan.msk.f32 $0xffff, v11  }
0x188: {  	v7 =	vsel vm4, v9, v7  }
0x189: {  	v7 =	vsel vm5, v12, v7  }
0x18a: {  	v7 =	vsel vm6, v10, v7  }
0x18b: {  	s23 =	sadd.s32 $0x50, s21;
	v7 =	vsel vm7, v8, v7  }
0x18c: {  	s24 =	sadd.s32 $0x60, s21;
	v59 =	vor.u32 s23, v2;
	v6 =	vsel vm8, v6, v7  }
0x18d: {  	s25 =	sadd.s32 $0x70, s21;
	v60 =	vor.u32 s24, v2;
	v6 =	vsel vm9, v59, v6;
	v61, _, _ =	vpop (xrf0)  }
0x18e: {  	v62 =	vor.u32 s25, v2;
	v6 =	vsel vm10, v60, v6;
	v8 =	vbroadcast v61, $0xF  }
0x18f: {  	v6 =	vsel vm11, v62, v6  }
0x190: {  	v6 =	vxor.u32 $0x80000000, v6;
	vm4 =	veq.f32 v11, v8  }
0x191: {  	v6 =	vnsel vm4, $0xC0000000, v6  }
0x192: {  	(xrf0) =	vmin.scan.msk.u32 $0xffff, v6;
	_ =	sdelay $0x5  }
0x193: {  	v6, _, _ =	vpop (xrf0)  }
0x194: {  	(v2sf) =	vpush v6, $0xF;
	_ =	sdelay $0xe  }
0x195: {  	[tilespmem:s20+$0x0] =	vst v16;
	s26 =	spop (v2sf)  }
0x196: {  	[tilespmem:s20+$0x10] =	vst v17;
	s28 =	sxor.u32 $0x80000000, s26  }
0x197: {  	[tilespmem:s20+$0x20] =	vst v58;
	p3 =	sgt.s32 s26, $0xFFFFFFFF;
	s21 =	sand.u32 $0xF, s26;
	p2 =	slt.s32 s28, $0x1  }
0x198: {  	[tilespmem:s20+$0x30] =	vst v13;
	s23 =	sshra.s32 s28, $0x1F;
	p6 =	sne.s32 s21, $0x0;
	p2 =	por p3, p2  }
0x199: {  	[tilespmem:s20+$0xFFFFFFC0] =	vst v5;
	s29 =	sshrl.u32 s23, $0x1C;
	p2 =	por !p6, !p2  }
0x19a: {  	[tilespmem:s20+$0xFFFFFFD0] =	vst v4;
	s23 =	simm.s32 $0x1;
	s21 =	sadd.s32 s29, s28;
	p2 =	por !p2, !p2  }
0x19b: {  	[tilespmem:s20+$0xFFFFFFE0] =	vst v22;
	s21 =	sshrl.u32 s21, $0x4;
	s23 =	simm.s32 @!p2 $0x0  }
0x19c: {  	[tilespmem:s20+$0xFFFFFFF0] =	vst v3;
	s30 =	ssub.s32 s21, s23  }
0x19d: {  	[tilespmem:$0x4000] =	vst v8;
	s20 =	sshll.u32 s30, $0x4  }
0x19e: {  	v3 =	vld [tilespmem:s20+$0x0];
	_ =	sdelay $0x1  }
0x19f: {  	s31 =	ssub.s32 s28, s20  }
0x1a0: {  	v63 =	vmov s31  }
0x1a1: {  	vm4 =	veq.s32 v63, v2  }
0x1a2: {  	v3 =	vnsel vm4, $0xFF61B1E6, v3  }
0x1a3: {  	(xrf0) =	vmax.scan.msk.f32 $0xffff, v3;
	_ =	sdelay $0x5  }
0x1a4: {  	v3, _, _ =	vpop (xrf0)  }
0x1a5: {  	v3 =	vbroadcast v3, $0xF;
	_ =	sdelay $0x1  }
0x1a6: {  	[tilespmem:$0x4010] =	vst v3  }
0x1a7: {  	v3 =	vld [tilespmem:s20+$0x1000];
	_ =	sdelay $0x4  }
0x1a8: {  	v3 =	vnsel vm4, $0xFF61B1E6, v3  }
0x1a9: {  	(xrf0) =	vmax.scan.msk.f32 $0xffff, v3;
	_ =	sdelay $0x5  }
0x1aa: {  	v3, _, _ =	vpop (xrf0)  }
0x1ab: {  	v3 =	vbroadcast v3, $0xF;
	_ =	sdelay $0x1  }
0x1ac: {  	[tilespmem:$0x4020] =	vst v3  }
0x1ad: {  	v3 =	vld [tilespmem:s20+$0x2000];
	_ =	sdelay $0x4  }
0x1ae: {  	v3 =	vnsel vm4, $0xFF61B1E6, v3  }
0x1af: {  	(xrf0) =	vmax.scan.msk.f32 $0xffff, v3;
	_ =	sdelay $0x5  }
0x1b0: {  	v3, _, _ =	vpop (xrf0)  }
0x1b1: {  	v3 =	vbroadcast v3, $0xF  }
0x1b2: {  	s19 =	sadd.s32 $0x1, s19  }
0x1b3: {  	p2 =	sne.s32 s19, $0x100;
	[tilespmem:$0x4030] =	vst v3  }
0x1b4: {  	[spmem:s7] =	stream.linear.scatter [tilespmem:s15], [sflag:$0x1], $0x40, $0x38;
	[tilespmem:$0x6200] =	vst v63  }
.Ltmp3:
0x1b5: {  	_ =	swait.ge [sflag:s13], $0x40;
	(pc) =	sbr.rel @p2 .LBB2_4-.Ltmp3, $3  }
0x1b6: {  	[sflag:s13] =	ssyncset.done $0x0  }
0x1b7: {  	[sflag:s13] =	ssyncadd.s32 $0xFFFFFFC0  }
0x1b8: {  	[bflag:$0x0] =	sbarrier.arrive $0xFFFF;
	_ =	sdelay $0x1  }
0x1b9: {  	s18 =	simm.s32 @!p1 $0x0;
	s19 =	simm.s32 @!p1 $0x4180;
	s17 =	sadd.s32 $0x1, s17  }
0x1ba: {  	[hbm4b:s10+s18] =	stream.linear.scatter @!p1 [tilespmem:s19], [sflag:$0x1], $0x2000, $0x38;
	[tilespmem:$0x6200] =	vst v63  }
0x1bb: {  	p2 =	sne.s32 s17, s11  }
.Ltmp4:
0x1bc: {  	_ = 	snop;
	(pc) =	sbr.rel @p2 .LBB2_1-.Ltmp4, $4  }
0x1bd: {  	s18 =	simm.s32 @!p1 $0x1  }
0x1be: {  	_ =	swait.ge @!p1 [sflag:s18], $0x2000  }
0x1bf: {  	[sflag:s18] =	ssyncset.done @!p1 $0x0  }
0x1c0: {  	[sflag:s18] =	ssyncadd.s32 @!p1 $0xFFFFE000  }
0x1c1: {  	_ =	sfence.sel $0x180000  }
0x1c2: {  	[bflag:$0x0] =	sbarrier.arrive $0xFFFF  }
0x1c3: {  	p0 =	sne.s32 s0, $0x0;
	_ =	strace $0x90000047  }
0x1c4: {  	s0 =	sadd.s32 @!p0 $0x100000, s1;
	[bflag:$0x2] =	sbarrier.arrive $0xFFFF  }
0x1c5: {  	[sflag:s0] =	ssyncadd.tile.s32 @!p0 $0x1;
	_ =	shalt  }
.Lfunc_end2:
_tile_overlayer_lowered:
.L_overlay_start_2:
0x1c6: {  	(tag) =	ssettag $0x2  }
0x1c7: {  	s0 =	rddreg [dreg:$0x0];
	s2 =	stileid.u32  }
0x1c8: {  	s1 =	rddreg [dreg:$0x1];
	p0 =	sne.s32 s2, $0x0  }
0x1c9: {  	s3 =	rddreg [dreg:$0x2];
	[bflag:$0x3] =	sbarrier.arrive $0xFFFF;
	s2 =	simm.s32 @!p0 $0x1C01  }
0x1ca: {  	[timem:s3], [sflag:s2] =	dma.local @!p0 [hbm:s0], s1  }
0x1cb: {  	s0 =	simm.s32 @!p0 $0x1  }
0x1cc: {  	_ =	swait.ge @!p0 [sflag:s0], s1  }
0x1cd: {  	s1 =	ssub.s32 @!p0 $0x0, s1;
	[sflag:s0] =	ssyncset.done @!p0 $0x0  }
0x1ce: {  	[sflag:s0] =	ssyncadd.s32 @!p0 s1  }
0x1cf: {  	[bflag:$0x3] =	sbarrier.arrive $0xFFFF  }
0x1d0: {  	_ =	shalt  }

</sc_bundles>
